<compile_context>
chip_gen: v7x
topology: tpu7x:2x2x1
jax: 0.10.2.dev20260603
libtpu: 0.0.44.dev20260713+nightly
codegen_flags: <defaults>
</compile_context>

<pallas_src>
import functools

import jax
import jax.numpy as jnp
from jax import lax
from jax.experimental import pallas as pl
from jax.experimental.pallas import tpu as pltpu
from jax.experimental.pallas import tpu_sc as plsc

N = 10000
E = 320000
D_IN = 128
D_HID = 128
D_OUT = 64

NC = 2
NS = 16
EPT = E // (NC * NS)
STRIPE = 624
TAIL = N - NS * STRIPE

_MESH = plsc.VectorSubcoreMesh(core_axis_name="c", subcore_axis_name="s")


@functools.partial(
    pl.kernel,
    out_type=jax.ShapeDtypeStruct((NC, N, 1), jnp.float32),
    mesh=_MESH,
    scratch_types=[
        pltpu.VMEM((EPT,), jnp.int32),
        pltpu.VMEM((EPT, 1), jnp.float32),
        pltpu.VMEM_SHARED((N, 1), jnp.float32),
    ],
    compiler_params=pltpu.CompilerParams(use_tc_tiling_on_sc=False),
)
def _deg_kernel(dst_hbm, zeros_hbm, ones_hbm, out_hbm, idx_v, ones_v, acc):
    c = lax.axis_index("c")
    s = lax.axis_index("s")

    @pl.when(s == 0)
    def _init():
        pltpu.sync_copy(zeros_hbm, acc)

    pltpu.sync_copy(ones_hbm, ones_v)
    pltpu.sync_copy(dst_hbm.at[pl.ds((c * NS + s) * EPT, EPT)], idx_v)
    plsc.subcore_barrier()

    pltpu.sync_copy(ones_v, acc.at[idx_v], add=True)
    plsc.subcore_barrier()

    @pl.when(s == 0)
    def _out():
        pltpu.sync_copy(acc, out_hbm.at[c])


def _make_scatter(D, NBUF, C):
    NCHUNK = EPT // C

    @functools.partial(
        pl.kernel,
        out_type=jax.ShapeDtypeStruct((NC, N, D), jnp.float32),
        mesh=_MESH,
        scratch_types=(
            [pltpu.VMEM((NCHUNK, C), jnp.int32)]
            + [pltpu.VMEM((C,), jnp.int32)] * NBUF
            + [pltpu.VMEM((C, D), jnp.float32)] * NBUF
            + [pltpu.VMEM_SHARED((N, D), jnp.float32)]
            + [pltpu.SemaphoreType.DMA] * (3 * NBUF)
        ),
        compiler_params=pltpu.CompilerParams(use_tc_tiling_on_sc=False),
    )
    def _scatter(g_hbm, src_hbm, dst_hbm, zeros_hbm, out_hbm,
                 src_i, *rest):
        c = lax.axis_index("c")
        s = lax.axis_index("s")
        droot = rest[:NBUF]
        bufs = rest[NBUF:2 * NBUF]
        acc = rest[2 * NBUF]
        gsem = rest[2 * NBUF + 1:3 * NBUF + 1]
        dsem = rest[3 * NBUF + 1:4 * NBUF + 1]
        ssem = rest[4 * NBUF + 1:]

        pltpu.sync_copy(zeros_hbm.at[pl.ds(s * STRIPE, STRIPE)],
                        acc.at[pl.ds(s * STRIPE, STRIPE)])

        @pl.when(s == 0)
        def _init_tail():
            pltpu.sync_copy(zeros_hbm.at[pl.ds(NS * STRIPE, TAIL)],
                            acc.at[pl.ds(NS * STRIPE, TAIL)])

        row0 = (c * NS + s) * NCHUNK
        pltpu.sync_copy(src_hbm.at[pl.ds(row0, NCHUNK)], src_i)
        plsc.subcore_barrier()

        for b in range(NBUF):
            pltpu.async_copy(dst_hbm.at[row0 + b], droot[b], dsem[b])
            pltpu.async_copy(g_hbm.at[src_i.at[b]], bufs[b], gsem[b])

        def body(j, carry):
            for b in range(NBUF):
                i = j * NBUF + b
                pltpu.make_async_copy(g_hbm.at[src_i.at[i]], bufs[b],
                                      gsem[b]).wait()
                pltpu.make_async_copy(dst_hbm.at[row0 + i], droot[b],
                                      dsem[b]).wait()
                pltpu.async_copy(bufs[b], acc.at[droot[b]], ssem[b],
                                 add=True)
                pltpu.make_async_copy(bufs[b], acc.at[droot[b]],
                                      ssem[b]).wait()

                @pl.when(i + NBUF < NCHUNK)
                def _next():
                    pltpu.async_copy(dst_hbm.at[row0 + i + NBUF], droot[b],
                                     dsem[b])
                    pltpu.async_copy(g_hbm.at[src_i.at[i + NBUF]], bufs[b],
                                     gsem[b])

            return carry

        lax.fori_loop(0, NCHUNK // NBUF, body, 0)
        plsc.subcore_barrier()

        pltpu.sync_copy(acc.at[pl.ds(s * STRIPE, STRIPE)],
                        out_hbm.at[c].at[pl.ds(s * STRIPE, STRIPE)])

        @pl.when(s == 0)
        def _out_tail():
            pltpu.sync_copy(acc.at[pl.ds(NS * STRIPE, TAIL)],
                            out_hbm.at[c].at[pl.ds(NS * STRIPE, TAIL)])

    return _scatter


C_HID = 100
C_OUT = 100
assert (EPT // C_HID) % 2 == 0 and (EPT // C_OUT) % 4 == 0
_scatter_hid = _make_scatter(D_HID, 2, C_HID)
_scatter_out = _make_scatter(D_OUT, 4, C_OUT)


_BLK = 1000


def _tc1_body(dp_ref, x_ref, w_ref, g_ref, dinv_ref):
    deg = dp_ref[0, :, 0] + dp_ref[1, :, 0] + 1.0
    dinv = lax.rsqrt(deg)[:, None]
    h = jnp.dot(x_ref[...], w_ref[...], preferred_element_type=jnp.float32)
    g_ref[...] = h * dinv
    dinv_ref[...] = dinv


def _tc1(degp, x, W1):
    return pl.pallas_call(
        _tc1_body,
        grid=(N // _BLK,),
        in_specs=[
            pl.BlockSpec((2, _BLK, 1), lambda i: (0, i, 0)),
            pl.BlockSpec((_BLK, D_IN), lambda i: (i, 0)),
            pl.BlockSpec((D_IN, D_HID), lambda i: (0, 0)),
        ],
        out_specs=[
            pl.BlockSpec((_BLK, D_HID), lambda i: (i, 0)),
            pl.BlockSpec((_BLK, 1), lambda i: (i, 0)),
        ],
        out_shape=[
            jax.ShapeDtypeStruct((N, D_HID), jnp.float32),
            jax.ShapeDtypeStruct((N, 1), jnp.float32),
        ],
    )(degp, x, W1)


def _tc2_body(sp_ref, g_ref, dinv_ref, b1_ref, w2_ref, g2_ref):
    agg = (sp_ref[0] + sp_ref[1] + g_ref[...]) * dinv_ref[...] + b1_ref[...]
    h1 = jnp.maximum(agg, 0.0)
    h2 = jnp.dot(h1, w2_ref[...], preferred_element_type=jnp.float32)
    g2_ref[...] = h2 * dinv_ref[...]


def _tc2(sp, g, dinv, b1, W2):
    return pl.pallas_call(
        _tc2_body,
        grid=(N // _BLK,),
        in_specs=[
            pl.BlockSpec((2, _BLK, D_HID), lambda i: (0, i, 0)),
            pl.BlockSpec((_BLK, D_HID), lambda i: (i, 0)),
            pl.BlockSpec((_BLK, 1), lambda i: (i, 0)),
            pl.BlockSpec((1, D_HID), lambda i: (0, 0)),
            pl.BlockSpec((D_HID, D_OUT), lambda i: (0, 0)),
        ],
        out_specs=pl.BlockSpec((_BLK, D_OUT), lambda i: (i, 0)),
        out_shape=jax.ShapeDtypeStruct((N, D_OUT), jnp.float32),
    )(sp, g, dinv, b1, W2)


def _tc3_body(sp_ref, g2_ref, dinv_ref, b2_ref, o_ref):
    z = (sp_ref[0] + sp_ref[1] + g2_ref[...]) * dinv_ref[...] + b2_ref[...]
    m = jnp.max(z, axis=1, keepdims=True)
    lse = jnp.log(jnp.sum(jnp.exp(z - m), axis=1, keepdims=True)) + m
    o_ref[...] = z - lse


def _tc3(sp2, g2, dinv, b2):
    return pl.pallas_call(
        _tc3_body,
        grid=(N // _BLK,),
        in_specs=[
            pl.BlockSpec((2, _BLK, D_OUT), lambda i: (0, i, 0)),
            pl.BlockSpec((_BLK, D_OUT), lambda i: (i, 0)),
            pl.BlockSpec((_BLK, 1), lambda i: (i, 0)),
            pl.BlockSpec((1, D_OUT), lambda i: (0, 0)),
        ],
        out_specs=pl.BlockSpec((_BLK, D_OUT), lambda i: (i, 0)),
        out_shape=jax.ShapeDtypeStruct((N, D_OUT), jnp.float32),
    )(sp2, g2, dinv, b2)


def kernel(x, edge_index, eigenvectors, W1, b1, W2, b2):
    del eigenvectors
    src = edge_index[0].astype(jnp.int32)
    dst = edge_index[1].astype(jnp.int32)
    src_h = src.reshape(E // C_HID, C_HID)
    dst_h = dst.reshape(E // C_HID, C_HID)
    src_o = src.reshape(E // C_OUT, C_OUT)
    dst_o = dst.reshape(E // C_OUT, C_OUT)

    zeros1 = jnp.zeros((N, 1), jnp.float32)
    ones_e = jnp.ones((EPT, 1), jnp.float32)
    zeros_hid = jnp.zeros((N, D_HID), jnp.float32)
    zeros_out = jnp.zeros((N, D_OUT), jnp.float32)

    degp = _deg_kernel(dst, zeros1, ones_e)
    g, dinv = _tc1(degp, x, W1)
    sp = _scatter_hid(g, src_h, dst_h, zeros_hid)
    g2 = _tc2(sp, g, dinv, b1.reshape(1, D_HID), W2)
    sp2 = _scatter_out(g2, src_o, dst_o, zeros_out)
    return _tc3(sp2, g2, dinv, b2.reshape(1, D_OUT))

# --- scband reference (transcript-rebuilt; emitter-appended) ---
"""Pipeline reference for scband-spectrum-gcn-20349555049042 (READ-ONLY COPY).

The authoritative reference and input builder live on the scoring server;
editing this copy changes nothing except your own understanding.
"""

import jax, jax.numpy as jnp
import numpy as np

N_NODES = 10000
N_EDGES = 320000
D_IN = 128
D_HID = 128
D_OUT = 64
SPEC_IN = 64


def setup_inputs(seed: int = 0) -> dict:
    key = jax.random.key(seed)
    k1, k2, k3, k4, k5, k6, k7 = jax.random.split(key, 7)
    x = jax.random.normal(k1, (N_NODES, D_IN), dtype=jnp.float32)
    edge_index = jax.random.randint(k2, (2, N_EDGES), 0, N_NODES, dtype=jnp.int64)
    eigenvectors = jax.random.normal(k3, (N_NODES, SPEC_IN), dtype=jnp.float32)
    # conv_1 params (GCNConv-style: in_dim -> out_dim, with bias)
    W1 = jax.random.normal(k4, (D_IN, D_HID), dtype=jnp.float32) * (1.0 / np.sqrt(D_IN))
    b1 = jnp.zeros((D_HID,), dtype=jnp.float32)
    # conv_2 params
    W2 = jax.random.normal(k5, (D_HID, D_OUT), dtype=jnp.float32) * (1.0 / np.sqrt(D_HID))
    b2 = jnp.zeros((D_OUT,), dtype=jnp.float32)
    return {"x": x, "edge_index": edge_index, "eigenvectors": eigenvectors,
            "W1": W1, "b1": b1, "W2": W2, "b2": b2}


def _gcn_conv(x, edge_index, W, b, num_nodes):
    # Linear transform
    h = x @ W
    src = edge_index[0]
    dst = edge_index[1]
    # add self-loops (add_self_loops=True)
    loop = jnp.arange(num_nodes, dtype=src.dtype)
    src = jnp.concatenate([src, loop])
    dst = jnp.concatenate([dst, loop])
    # symmetric normalization (normalize=True)
    ones = jnp.ones_like(dst, dtype=h.dtype)
    deg = jax.ops.segment_sum(ones, dst, num_segments=num_nodes)
    dinv = jnp.where(deg > 0, deg ** -0.5, 0.0)
    norm = dinv[src] * dinv[dst]
    # message + scatter-add aggregation
    msg = h[src] * norm[:, None]
    out = jax.ops.segment_sum(msg, dst, num_segments=num_nodes)
    return out + b


def reference(x, edge_index, eigenvectors, W1, b1, W2, b2):
    # graph_less=False branch: eigenvectors are passed into convGCN but unused
    # in the standard GCN propagation path.
    num_nodes = x.shape[0]
    h = _gcn_conv(x, edge_index, W1, b1, num_nodes)
    h = jax.nn.relu(h)
    # dropout in eval mode (training=False) -> identity
    h = _gcn_conv(h, edge_index, W2, b2, num_nodes)
    # log_softmax over class dim
    return jax.nn.log_softmax(h, axis=1)

if __name__ == "__main__":
    import jax
    _d = setup_inputs()
    print(jax.jit(kernel)(*tuple(_d.values())))

</pallas_src>

<mosaic_0001>
#map = affine_map<(d0, d1) -> (0)>
#map1 = affine_map<(d0, d1) -> (0, 0)>
#map2 = affine_map<(d0, d1) -> (0, 0, 0)>
module attributes {stable_mosaic.version = 14 : i64} {
  func.func @_deg_kernel(%arg0: i32, %arg1: i32, %arg2: memref<320000xi32, #tpu.memory_space<hbm>>, %arg3: memref<10000x1xf32, #tpu.memory_space<hbm>>, %arg4: memref<10000x1xf32, #tpu.memory_space<hbm>>, %arg5: memref<2x10000x1xf32, #tpu.memory_space<hbm>>, %arg6: memref<10000xi32, #tpu.memory_space<vmem>>, %arg7: memref<10000x1xf32, #tpu.memory_space<vmem>>, %arg8: memref<10000x1xf32, #tpu.memory_space<vmem_shared>>) attributes {dimension_semantics = [#tpu.dimension_semantics<core_parallel>, #tpu.dimension_semantics<subcore_parallel>], iteration_bounds = array<i64: 2, 16>, scalar_prefetch = 0 : i64, scratch_operands = 3 : i64, tpu.core_type = #tpu.core_type<sc_vector_subcore>, window_params = [{transform_indices = #map}, {transform_indices = #map1}, {transform_indices = #map1}, {transform_indices = #map2}]} {
    %eq3A = arith.constant 0 : i32
    %eq3A_0 = arith.cmpi eq, %arg1, %eq3A : i32
    %convert_element_type3A = arith.extui %eq3A_0 : i1 to i32
    %cond3A = arith.constant 0 : i32
    %cond3A_1 = arith.cmpi ne, %convert_element_type3A, %cond3A : i32
    scf.if %cond3A_1 {
      "tpu.region"() ({
        %run_scoped3A = tpu.sem_alloc : memref<!tpu.dma_semaphore, #tpu.memory_space<semaphore_mem>>
        tpu.enqueue_dma source(%arg3 : memref<10000x1xf32, #tpu.memory_space<hbm>>) target(%arg8 : memref<10000x1xf32, #tpu.memory_space<vmem_shared>>) target_semaphore(%run_scoped3A : memref<!tpu.dma_semaphore, #tpu.memory_space<semaphore_mem>>)
        tpu.wait_dma2 semaphore(%run_scoped3A : memref<!tpu.dma_semaphore, #tpu.memory_space<semaphore_mem>>) src(%arg3 : memref<10000x1xf32, #tpu.memory_space<hbm>>) dst(%arg8 : memref<10000x1xf32, #tpu.memory_space<vmem_shared>>)
        tpu.yield
      }) : () -> ()
    } else {
    }
    "tpu.region"() ({
      %run_scoped3A = tpu.sem_alloc : memref<!tpu.dma_semaphore, #tpu.memory_space<semaphore_mem>>
      tpu.enqueue_dma source(%arg4 : memref<10000x1xf32, #tpu.memory_space<hbm>>) target(%arg7 : memref<10000x1xf32, #tpu.memory_space<vmem>>) target_semaphore(%run_scoped3A : memref<!tpu.dma_semaphore, #tpu.memory_space<semaphore_mem>>)
      tpu.wait_dma2 semaphore(%run_scoped3A : memref<!tpu.dma_semaphore, #tpu.memory_space<semaphore_mem>>) src(%arg4 : memref<10000x1xf32, #tpu.memory_space<hbm>>) dst(%arg7 : memref<10000x1xf32, #tpu.memory_space<vmem>>)
      tpu.yield
    }) : () -> ()
    %mul3A = arith.constant 16 : i32
    %mul3A_2 = arith.muli %arg0, %mul3A : i32
    %add3A = arith.addi %mul3A_2, %arg1 : i32
    %mul3A_3 = arith.constant 10000 : i32
    %mul3A_4 = arith.muli %add3A, %mul3A_3 : i32
    "tpu.region"() ({
      %run_scoped3A = tpu.sem_alloc : memref<!tpu.dma_semaphore, #tpu.memory_space<semaphore_mem>>
      %dma_start3A = tpu.memref_slice %arg2[%mul3A_4] : memref<320000xi32, #tpu.memory_space<hbm>> -> memref<10000xi32, #tpu.memory_space<hbm>>
      %dma_start3A_11 = tpu.memref_slice %arg2[%mul3A_4] : memref<320000xi32, #tpu.memory_space<hbm>> -> memref<10000xi32, #tpu.memory_space<hbm>>
      tpu.enqueue_dma source(%dma_start3A_11 : memref<10000xi32, #tpu.memory_space<hbm>>) target(%arg6 : memref<10000xi32, #tpu.memory_space<vmem>>) target_semaphore(%run_scoped3A : memref<!tpu.dma_semaphore, #tpu.memory_space<semaphore_mem>>)
      %dma_wait3A = tpu.memref_slice %arg2[%mul3A_4] : memref<320000xi32, #tpu.memory_space<hbm>> -> memref<10000xi32, #tpu.memory_space<hbm>>
      %dma_wait3A_12 = tpu.memref_slice %arg2[%mul3A_4] : memref<320000xi32, #tpu.memory_space<hbm>> -> memref<10000xi32, #tpu.memory_space<hbm>>
      tpu.wait_dma2 semaphore(%run_scoped3A : memref<!tpu.dma_semaphore, #tpu.memory_space<semaphore_mem>>) src(%dma_wait3A_12 : memref<10000xi32, #tpu.memory_space<hbm>>) dst(%arg6 : memref<10000xi32, #tpu.memory_space<vmem>>)
      tpu.yield
    }) : () -> ()
    %barrier3A = arith.constant 0 : index
    tpu.barrier barrier_id(%barrier3A)
    "tpu.region"() ({
      %run_scoped3A = tpu.sem_alloc : memref<!tpu.dma_semaphore, #tpu.memory_space<semaphore_mem>>
      %dma_start3A = arith.constant 0 : i32
      %dma_start3A_11 = arith.constant 0 : i32
      %dma_start3A_12 = tpu.memref_slice %arg8[%dma_start3A, %dma_start3A_11] : memref<10000x1xf32, #tpu.memory_space<vmem_shared>> -> memref<10000x1xf32, #tpu.memory_space<vmem_shared>>
      tpu.enqueue_indirect_dma source(%arg7 : memref<10000x1xf32, #tpu.memory_space<vmem>>) target(%dma_start3A_12 : memref<10000x1xf32, #tpu.memory_space<vmem_shared>>) offsets(%arg6 : memref<10000xi32, #tpu.memory_space<vmem>>) semaphore(%run_scoped3A : memref<!tpu.dma_semaphore, #tpu.memory_space<semaphore_mem>>) {add = true}
      %dma_wait3A = arith.constant 0 : i32
      %dma_wait3A_13 = arith.constant 0 : i32
      %dma_wait3A_14 = tpu.memref_slice %arg8[%dma_wait3A, %dma_wait3A_13] : memref<10000x1xf32, #tpu.memory_space<vmem_shared>> -> memref<10000x1xf32, #tpu.memory_space<vmem_shared>>
      tpu.wait_indirect_dma semaphore(%run_scoped3A : memref<!tpu.dma_semaphore, #tpu.memory_space<semaphore_mem>>) src(%arg7 : memref<10000x1xf32, #tpu.memory_space<vmem>>) dst(%dma_wait3A_14 : memref<10000x1xf32, #tpu.memory_space<vmem_shared>>)
      tpu.yield
    }) : () -> ()
    %barrier3A_5 = arith.constant 0 : index
    tpu.barrier barrier_id(%barrier3A_5)
    %eq3A_6 = arith.constant 0 : i32
    %eq3A_7 = arith.cmpi eq, %arg1, %eq3A_6 : i32
    %convert_element_type3A_8 = arith.extui %eq3A_7 : i1 to i32
    %cond3A_9 = arith.constant 0 : i32
    %cond3A_10 = arith.cmpi ne, %convert_element_type3A_8, %cond3A_9 : i32
    scf.if %cond3A_10 {
      "tpu.region"() ({
        %run_scoped3A = tpu.sem_alloc : memref<!tpu.dma_semaphore, #tpu.memory_space<semaphore_mem>>
        %dma_start3A = arith.constant 0 : i32
        %dma_start3A_11 = arith.constant 0 : i32
        %dma_start3A_12 = tpu.memref_slice %arg5[%arg0, %dma_start3A, %dma_start3A_11] : memref<2x10000x1xf32, #tpu.memory_space<hbm>> -> memref<1x10000x1xf32, #tpu.memory_space<hbm>>
        %dma_start3A_13 = tpu.memref_squeeze %dma_start3A_12 : memref<1x10000x1xf32, #tpu.memory_space<hbm>> -> memref<10000x1xf32, #tpu.memory_space<hbm>>
        tpu.enqueue_dma source(%arg8 : memref<10000x1xf32, #tpu.memory_space<vmem_shared>>) target(%dma_start3A_13 : memref<10000x1xf32, #tpu.memory_space<hbm>>) target_semaphore(%run_scoped3A : memref<!tpu.dma_semaphore, #tpu.memory_space<semaphore_mem>>)
        %dma_wait3A = arith.constant 0 : i32
        %dma_wait3A_14 = arith.constant 0 : i32
        %dma_wait3A_15 = tpu.memref_slice %arg5[%arg0, %dma_wait3A, %dma_wait3A_14] : memref<2x10000x1xf32, #tpu.memory_space<hbm>> -> memref<1x10000x1xf32, #tpu.memory_space<hbm>>
        %dma_wait3A_16 = tpu.memref_squeeze %dma_wait3A_15 : memref<1x10000x1xf32, #tpu.memory_space<hbm>> -> memref<10000x1xf32, #tpu.memory_space<hbm>>
        tpu.wait_dma2 semaphore(%run_scoped3A : memref<!tpu.dma_semaphore, #tpu.memory_space<semaphore_mem>>) src(%arg8 : memref<10000x1xf32, #tpu.memory_space<vmem_shared>>) dst(%dma_wait3A_16 : memref<10000x1xf32, #tpu.memory_space<hbm>>)
        tpu.yield
      }) : () -> ()
    } else {
    }
    return
  }
}

#map = affine_map<(d0, d1) -> (0, 0)>
#map1 = affine_map<(d0, d1) -> (0, 0, 0)>
module attributes {stable_mosaic.version = 14 : i64} {
  func.func @_scatter(%arg0: i32, %arg1: i32, %arg2: memref<10000x128xf32, #tpu.memory_space<hbm>>, %arg3: memref<3200x100xi32, #tpu.memory_space<hbm>>, %arg4: memref<3200x100xi32, #tpu.memory_space<hbm>>, %arg5: memref<10000x128xf32, #tpu.memory_space<hbm>>, %arg6: memref<2x10000x128xf32, #tpu.memory_space<hbm>>, %arg7: memref<100x100xi32, #tpu.memory_space<vmem>>, %arg8: memref<100xi32, #tpu.memory_space<vmem>>, %arg9: memref<100xi32, #tpu.memory_space<vmem>>, %arg10: memref<100x128xf32, #tpu.memory_space<vmem>>, %arg11: memref<100x128xf32, #tpu.memory_space<vmem>>, %arg12: memref<10000x128xf32, #tpu.memory_space<vmem_shared>>, %arg13: memref<!tpu.dma_semaphore, #tpu.memory_space<semaphore_mem>>, %arg14: memref<!tpu.dma_semaphore, #tpu.memory_space<semaphore_mem>>, %arg15: memref<!tpu.dma_semaphore, #tpu.memory_space<semaphore_mem>>, %arg16: memref<!tpu.dma_semaphore, #tpu.memory_space<semaphore_mem>>, %arg17: memref<!tpu.dma_semaphore, #tpu.memory_space<semaphore_mem>>, %arg18: memref<!tpu.dma_semaphore, #tpu.memory_space<semaphore_mem>>) attributes {dimension_semantics = [#tpu.dimension_semantics<core_parallel>, #tpu.dimension_semantics<subcore_parallel>], iteration_bounds = array<i64: 2, 16>, scalar_prefetch = 0 : i64, scratch_operands = 12 : i64, tpu.core_type = #tpu.core_type<sc_vector_subcore>, window_params = [{transform_indices = #map}, {transform_indices = #map}, {transform_indices = #map}, {transform_indices = #map}, {transform_indices = #map1}]} {
    %mul3A = arith.constant 624 : i32
    %mul3A_0 = arith.muli %arg1, %mul3A : i32
    %mul3A_1 = arith.constant 624 : i32
    %mul3A_2 = arith.muli %arg1, %mul3A_1 : i32
    "tpu.region"() ({
      %run_scoped3A = tpu.sem_alloc : memref<!tpu.dma_semaphore, #tpu.memory_space<semaphore_mem>>
      %dma_start3A_53 = arith.constant 0 : i32
      %dma_start3A_54 = tpu.memref_slice %arg12[%mul3A_2, %dma_start3A_53] : memref<10000x128xf32, #tpu.memory_space<vmem_shared>> -> memref<624x128xf32, #tpu.memory_space<vmem_shared>>
      %dma_start3A_55 = arith.constant 0 : i32
      %dma_start3A_56 = tpu.memref_slice %arg5[%mul3A_0, %dma_start3A_55] : memref<10000x128xf32, #tpu.memory_space<hbm>> -> memref<624x128xf32, #tpu.memory_space<hbm>>
      tpu.enqueue_dma source(%dma_start3A_56 : memref<624x128xf32, #tpu.memory_space<hbm>>) target(%dma_start3A_54 : memref<624x128xf32, #tpu.memory_space<vmem_shared>>) target_semaphore(%run_scoped3A : memref<!tpu.dma_semaphore, #tpu.memory_space<semaphore_mem>>)
      %dma_wait3A = arith.constant 0 : i32
      %dma_wait3A_57 = tpu.memref_slice %arg12[%mul3A_2, %dma_wait3A] : memref<10000x128xf32, #tpu.memory_space<vmem_shared>> -> memref<624x128xf32, #tpu.memory_space<vmem_shared>>
      %dma_wait3A_58 = arith.constant 0 : i32
      %dma_wait3A_59 = tpu.memref_slice %arg5[%mul3A_0, %dma_wait3A_58] : memref<10000x128xf32, #tpu.memory_space<hbm>> -> memref<624x128xf32, #tpu.memory_space<hbm>>
      tpu.wait_dma2 semaphore(%run_scoped3A : memref<!tpu.dma_semaphore, #tpu.memory_space<semaphore_mem>>) src(%dma_wait3A_59 : memref<624x128xf32, #tpu.memory_space<hbm>>) dst(%dma_wait3A_57 : memref<624x128xf32, #tpu.memory_space<vmem_shared>>)
      tpu.yield
    }) : () -> ()
    %eq3A = arith.constant 0 : i32
    %eq3A_3 = arith.cmpi eq, %arg1, %eq3A : i32
    %convert_element_type3A = arith.extui %eq3A_3 : i1 to i32
    %cond3A = arith.constant 0 : i32
    %cond3A_4 = arith.cmpi ne, %convert_element_type3A, %cond3A : i32
    scf.if %cond3A_4 {
      "tpu.region"() ({
        %run_scoped3A = tpu.sem_alloc : memref<!tpu.dma_semaphore, #tpu.memory_space<semaphore_mem>>
        %dma_start3A_53 = arith.constant 9984 : i32
        %dma_start3A_54 = arith.constant 0 : i32
        %dma_start3A_55 = tpu.memref_slice %arg12[%dma_start3A_53, %dma_start3A_54] : memref<10000x128xf32, #tpu.memory_space<vmem_shared>> -> memref<16x128xf32, #tpu.memory_space<vmem_shared>>
        %dma_start3A_56 = arith.constant 9984 : i32
        %dma_start3A_57 = arith.constant 0 : i32
        %dma_start3A_58 = tpu.memref_slice %arg5[%dma_start3A_56, %dma_start3A_57] : memref<10000x128xf32, #tpu.memory_space<hbm>> -> memref<16x128xf32, #tpu.memory_space<hbm>>
        tpu.enqueue_dma source(%dma_start3A_58 : memref<16x128xf32, #tpu.memory_space<hbm>>) target(%dma_start3A_55 : memref<16x128xf32, #tpu.memory_space<vmem_shared>>) target_semaphore(%run_scoped3A : memref<!tpu.dma_semaphore, #tpu.memory_space<semaphore_mem>>)
        %dma_wait3A = arith.constant 9984 : i32
        %dma_wait3A_59 = arith.constant 0 : i32
        %dma_wait3A_60 = tpu.memref_slice %arg12[%dma_wait3A, %dma_wait3A_59] : memref<10000x128xf32, #tpu.memory_space<vmem_shared>> -> memref<16x128xf32, #tpu.memory_space<vmem_shared>>
        %dma_wait3A_61 = arith.constant 9984 : i32
        %dma_wait3A_62 = arith.constant 0 : i32
        %dma_wait3A_63 = tpu.memref_slice %arg5[%dma_wait3A_61, %dma_wait3A_62] : memref<10000x128xf32, #tpu.memory_space<hbm>> -> memref<16x128xf32, #tpu.memory_space<hbm>>
        tpu.wait_dma2 semaphore(%run_scoped3A : memref<!tpu.dma_semaphore, #tpu.memory_space<semaphore_mem>>) src(%dma_wait3A_63 : memref<16x128xf32, #tpu.memory_space<hbm>>) dst(%dma_wait3A_60 : memref<16x128xf32, #tpu.memory_space<vmem_shared>>)
        tpu.yield
      }) : () -> ()
    } else {
    }
    %mul3A_5 = arith.constant 16 : i32
    %mul3A_6 = arith.muli %arg0, %mul3A_5 : i32
    %add3A = arith.addi %mul3A_6, %arg1 : i32
    %mul3A_7 = arith.constant 100 : i32
    %mul3A_8 = arith.muli %add3A, %mul3A_7 : i32
    "tpu.region"() ({
      %run_scoped3A = tpu.sem_alloc : memref<!tpu.dma_semaphore, #tpu.memory_space<semaphore_mem>>
      %dma_start3A_53 = arith.constant 0 : i32
      %dma_start3A_54 = tpu.memref_slice %arg3[%mul3A_8, %dma_start3A_53] : memref<3200x100xi32, #tpu.memory_space<hbm>> -> memref<100x100xi32, #tpu.memory_space<hbm>>
      %dma_start3A_55 = arith.constant 0 : i32
      %dma_start3A_56 = tpu.memref_slice %arg3[%mul3A_8, %dma_start3A_55] : memref<3200x100xi32, #tpu.memory_space<hbm>> -> memref<100x100xi32, #tpu.memory_space<hbm>>
      tpu.enqueue_dma source(%dma_start3A_56 : memref<100x100xi32, #tpu.memory_space<hbm>>) target(%arg7 : memref<100x100xi32, #tpu.memory_space<vmem>>) target_semaphore(%run_scoped3A : memref<!tpu.dma_semaphore, #tpu.memory_space<semaphore_mem>>)
      %dma_wait3A = arith.constant 0 : i32
      %dma_wait3A_57 = tpu.memref_slice %arg3[%mul3A_8, %dma_wait3A] : memref<3200x100xi32, #tpu.memory_space<hbm>> -> memref<100x100xi32, #tpu.memory_space<hbm>>
      %dma_wait3A_58 = arith.constant 0 : i32
      %dma_wait3A_59 = tpu.memref_slice %arg3[%mul3A_8, %dma_wait3A_58] : memref<3200x100xi32, #tpu.memory_space<hbm>> -> memref<100x100xi32, #tpu.memory_space<hbm>>
      tpu.wait_dma2 semaphore(%run_scoped3A : memref<!tpu.dma_semaphore, #tpu.memory_space<semaphore_mem>>) src(%dma_wait3A_59 : memref<100x100xi32, #tpu.memory_space<hbm>>) dst(%arg7 : memref<100x100xi32, #tpu.memory_space<vmem>>)
      tpu.yield
    }) : () -> ()
    %barrier3A = arith.constant 0 : index
    tpu.barrier barrier_id(%barrier3A)
    %add3A_9 = arith.constant 0 : i32
    %add3A_10 = arith.addi %mul3A_8, %add3A_9 : i32
    %dma_start3A = arith.constant 0 : i32
    %dma_start3A_11 = tpu.memref_slice %arg4[%add3A_10, %dma_start3A] : memref<3200x100xi32, #tpu.memory_space<hbm>> -> memref<1x100xi32, #tpu.memory_space<hbm>>
    %dma_start3A_12 = tpu.memref_squeeze %dma_start3A_11 : memref<1x100xi32, #tpu.memory_space<hbm>> -> memref<100xi32, #tpu.memory_space<hbm>>
    %dma_start3A_13 = arith.constant 0 : i32
    %dma_start3A_14 = tpu.memref_slice %arg4[%add3A_10, %dma_start3A_13] : memref<3200x100xi32, #tpu.memory_space<hbm>> -> memref<1x100xi32, #tpu.memory_space<hbm>>
    %dma_start3A_15 = tpu.memref_squeeze %dma_start3A_14 : memref<1x100xi32, #tpu.memory_space<hbm>> -> memref<100xi32, #tpu.memory_space<hbm>>
    tpu.enqueue_dma source(%dma_start3A_15 : memref<100xi32, #tpu.memory_space<hbm>>) target(%arg8 : memref<100xi32, #tpu.memory_space<vmem>>) target_semaphore(%arg15 : memref<!tpu.dma_semaphore, #tpu.memory_space<semaphore_mem>>)
    %dma_start3A_16 = arith.constant 0 : i32
    %dma_start3A_17 = arith.constant 0 : i32
    %dma_start3A_18 = tpu.memref_slice %arg7[%dma_start3A_16, %dma_start3A_17] : memref<100x100xi32, #tpu.memory_space<vmem>> -> memref<1x100xi32, #tpu.memory_space<vmem>>
    %dma_start3A_19 = tpu.memref_squeeze %dma_start3A_18 : memref<1x100xi32, #tpu.memory_space<vmem>> -> memref<100xi32, #tpu.memory_space<vmem>>
    %dma_start3A_20 = arith.constant 0 : i32
    %dma_start3A_21 = arith.constant 0 : i32
    %dma_start3A_22 = tpu.memref_slice %arg2[%dma_start3A_20, %dma_start3A_21] : memref<10000x128xf32, #tpu.memory_space<hbm>> -> memref<10000x128xf32, #tpu.memory_space<hbm>>
    tpu.enqueue_indirect_dma source(%dma_start3A_22 : memref<10000x128xf32, #tpu.memory_space<hbm>>) target(%arg10 : memref<100x128xf32, #tpu.memory_space<vmem>>) offsets(%dma_start3A_19 : memref<100xi32, #tpu.memory_space<vmem>>) semaphore(%arg13 : memref<!tpu.dma_semaphore, #tpu.memory_space<semaphore_mem>>)
    %add3A_23 = arith.constant 1 : i32
    %add3A_24 = arith.addi %mul3A_8, %add3A_23 : i32
    %dma_start3A_25 = arith.constant 0 : i32
    %dma_start3A_26 = tpu.memref_slice %arg4[%add3A_24, %dma_start3A_25] : memref<3200x100xi32, #tpu.memory_space<hbm>> -> memref<1x100xi32, #tpu.memory_space<hbm>>
    %dma_start3A_27 = tpu.memref_squeeze %dma_start3A_26 : memref<1x100xi32, #tpu.memory_space<hbm>> -> memref<100xi32, #tpu.memory_space<hbm>>
    %dma_start3A_28 = arith.constant 0 : i32
    %dma_start3A_29 = tpu.memref_slice %arg4[%add3A_24, %dma_start3A_28] : memref<3200x100xi32, #tpu.memory_space<hbm>> -> memref<1x100xi32, #tpu.memory_space<hbm>>
    %dma_start3A_30 = tpu.memref_squeeze %dma_start3A_29 : memref<1x100xi32, #tpu.memory_space<hbm>> -> memref<100xi32, #tpu.memory_space<hbm>>
    tpu.enqueue_dma source(%dma_start3A_30 : memref<100xi32, #tpu.memory_space<hbm>>) target(%arg9 : memref<100xi32, #tpu.memory_space<vmem>>) target_semaphore(%arg16 : memref<!tpu.dma_semaphore, #tpu.memory_space<semaphore_mem>>)
    %dma_start3A_31 = arith.constant 1 : i32
    %dma_start3A_32 = arith.constant 0 : i32
    %dma_start3A_33 = tpu.memref_slice %arg7[%dma_start3A_31, %dma_start3A_32] : memref<100x100xi32, #tpu.memory_space<vmem>> -> memref<1x100xi32, #tpu.memory_space<vmem>>
    %dma_start3A_34 = tpu.memref_squeeze %dma_start3A_33 : memref<1x100xi32, #tpu.memory_space<vmem>> -> memref<100xi32, #tpu.memory_space<vmem>>
    %dma_start3A_35 = arith.constant 0 : i32
    %dma_start3A_36 = arith.constant 0 : i32
    %dma_start3A_37 = tpu.memref_slice %arg2[%dma_start3A_35, %dma_start3A_36] : memref<10000x128xf32, #tpu.memory_space<hbm>> -> memref<10000x128xf32, #tpu.memory_space<hbm>>
    tpu.enqueue_indirect_dma source(%dma_start3A_37 : memref<10000x128xf32, #tpu.memory_space<hbm>>) target(%arg11 : memref<100x128xf32, #tpu.memory_space<vmem>>) offsets(%dma_start3A_34 : memref<100xi32, #tpu.memory_space<vmem>>) semaphore(%arg14 : memref<!tpu.dma_semaphore, #tpu.memory_space<semaphore_mem>>)
    %scan3A = arith.constant 0 : i32
    %scan3A_38 = arith.constant 0 : i32
    %scan3A_39 = arith.constant 50 : i32
    %scan3A_40 = arith.addi %scan3A_38, %scan3A_39 : i32
    %scan3A_41 = arith.constant 1 : i32
    scf.for %scan3A_53 = %scan3A_38 to %scan3A_40 step %scan3A_41  : i32 {
      %mul3A_54 = arith.constant 2 : i32
      %mul3A_55 = arith.muli %scan3A_53, %mul3A_54 : i32
      %add3A_56 = arith.constant 0 : i32
      %add3A_57 = arith.addi %mul3A_55, %add3A_56 : i32
      %dma_wait3A = arith.constant 0 : i32
      %dma_wait3A_58 = tpu.memref_slice %arg7[%add3A_57, %dma_wait3A] : memref<100x100xi32, #tpu.memory_space<vmem>> -> memref<1x100xi32, #tpu.memory_space<vmem>>
      %dma_wait3A_59 = tpu.memref_squeeze %dma_wait3A_58 : memref<1x100xi32, #tpu.memory_space<vmem>> -> memref<100xi32, #tpu.memory_space<vmem>>
      %dma_wait3A_60 = arith.constant 0 : i32
      %dma_wait3A_61 = arith.constant 0 : i32
      %dma_wait3A_62 = tpu.memref_slice %arg2[%dma_wait3A_60, %dma_wait3A_61] : memref<10000x128xf32, #tpu.memory_space<hbm>> -> memref<10000x128xf32, #tpu.memory_space<hbm>>
      tpu.wait_indirect_dma semaphore(%arg13 : memref<!tpu.dma_semaphore, #tpu.memory_space<semaphore_mem>>) src(%dma_wait3A_62 : memref<10000x128xf32, #tpu.memory_space<hbm>>) dst(%arg10 : memref<100x128xf32, #tpu.memory_space<vmem>>)
      %add3A_63 = arith.addi %mul3A_8, %add3A_57 : i32
      %dma_wait3A_64 = arith.constant 0 : i32
      %dma_wait3A_65 = tpu.memref_slice %arg4[%add3A_63, %dma_wait3A_64] : memref<3200x100xi32, #tpu.memory_space<hbm>> -> memref<1x100xi32, #tpu.memory_space<hbm>>
      %dma_wait3A_66 = tpu.memref_squeeze %dma_wait3A_65 : memref<1x100xi32, #tpu.memory_space<hbm>> -> memref<100xi32, #tpu.memory_space<hbm>>
      %dma_wait3A_67 = arith.constant 0 : i32
      %dma_wait3A_68 = tpu.memref_slice %arg4[%add3A_63, %dma_wait3A_67] : memref<3200x100xi32, #tpu.memory_space<hbm>> -> memref<1x100xi32, #tpu.memory_space<hbm>>
      %dma_wait3A_69 = tpu.memref_squeeze %dma_wait3A_68 : memref<1x100xi32, #tpu.memory_space<hbm>> -> memref<100xi32, #tpu.memory_space<hbm>>
      tpu.wait_dma2 semaphore(%arg15 : memref<!tpu.dma_semaphore, #tpu.memory_space<semaphore_mem>>) src(%dma_wait3A_69 : memref<100xi32, #tpu.memory_space<hbm>>) dst(%arg8 : memref<100xi32, #tpu.memory_space<vmem>>)
      %dma_start3A_70 = arith.constant 0 : i32
      %dma_start3A_71 = arith.constant 0 : i32
      %dma_start3A_72 = tpu.memref_slice %arg12[%dma_start3A_70, %dma_start3A_71] : memref<10000x128xf32, #tpu.memory_space<vmem_shared>> -> memref<10000x128xf32, #tpu.memory_space<vmem_shared>>
      tpu.enqueue_indirect_dma source(%arg10 : memref<100x128xf32, #tpu.memory_space<vmem>>) target(%dma_start3A_72 : memref<10000x128xf32, #tpu.memory_space<vmem_shared>>) offsets(%arg8 : memref<100xi32, #tpu.memory_space<vmem>>) semaphore(%arg17 : memref<!tpu.dma_semaphore, #tpu.memory_space<semaphore_mem>>) {add = true}
      %dma_wait3A_73 = arith.constant 0 : i32
      %dma_wait3A_74 = arith.constant 0 : i32
      %dma_wait3A_75 = tpu.memref_slice %arg12[%dma_wait3A_73, %dma_wait3A_74] : memref<10000x128xf32, #tpu.memory_space<vmem_shared>> -> memref<10000x128xf32, #tpu.memory_space<vmem_shared>>
      tpu.wait_indirect_dma semaphore(%arg17 : memref<!tpu.dma_semaphore, #tpu.memory_space<semaphore_mem>>) src(%arg10 : memref<100x128xf32, #tpu.memory_space<vmem>>) dst(%dma_wait3A_75 : memref<10000x128xf32, #tpu.memory_space<vmem_shared>>)
      %add3A_76 = arith.constant 2 : i32
      %add3A_77 = arith.addi %add3A_57, %add3A_76 : i32
      %lt3A = arith.constant 100 : i32
      %lt3A_78 = arith.cmpi slt, %add3A_77, %lt3A : i32
      %convert_element_type3A_79 = arith.extui %lt3A_78 : i1 to i32
      %cond3A_80 = arith.constant 0 : i32
      %cond3A_81 = arith.cmpi ne, %convert_element_type3A_79, %cond3A_80 : i32
      scf.if %cond3A_81 {
        %add3A_112 = arith.addi %mul3A_8, %add3A_57 : i32
        %add3A_113 = arith.constant 2 : i32
        %add3A_114 = arith.addi %add3A_112, %add3A_113 : i32
        %dma_start3A_115 = arith.constant 0 : i32
        %dma_start3A_116 = tpu.memref_slice %arg4[%add3A_114, %dma_start3A_115] : memref<3200x100xi32, #tpu.memory_space<hbm>> -> memref<1x100xi32, #tpu.memory_space<hbm>>
        %dma_start3A_117 = tpu.memref_squeeze %dma_start3A_116 : memref<1x100xi32, #tpu.memory_space<hbm>> -> memref<100xi32, #tpu.memory_space<hbm>>
        %dma_start3A_118 = arith.constant 0 : i32
        %dma_start3A_119 = tpu.memref_slice %arg4[%add3A_114, %dma_start3A_118] : memref<3200x100xi32, #tpu.memory_space<hbm>> -> memref<1x100xi32, #tpu.memory_space<hbm>>
        %dma_start3A_120 = tpu.memref_squeeze %dma_start3A_119 : memref<1x100xi32, #tpu.memory_space<hbm>> -> memref<100xi32, #tpu.memory_space<hbm>>
        tpu.enqueue_dma source(%dma_start3A_120 : memref<100xi32, #tpu.memory_space<hbm>>) target(%arg8 : memref<100xi32, #tpu.memory_space<vmem>>) target_semaphore(%arg15 : memref<!tpu.dma_semaphore, #tpu.memory_space<semaphore_mem>>)
        %add3A_121 = arith.constant 2 : i32
        %add3A_122 = arith.addi %add3A_57, %add3A_121 : i32
        %dma_start3A_123 = arith.constant 0 : i32
        %dma_start3A_124 = tpu.memref_slice %arg7[%add3A_122, %dma_start3A_123] : memref<100x100xi32, #tpu.memory_space<vmem>> -> memref<1x100xi32, #tpu.memory_space<vmem>>
        %dma_start3A_125 = tpu.memref_squeeze %dma_start3A_124 : memref<1x100xi32, #tpu.memory_space<vmem>> -> memref<100xi32, #tpu.memory_space<vmem>>
        %dma_start3A_126 = arith.constant 0 : i32
        %dma_start3A_127 = arith.constant 0 : i32
        %dma_start3A_128 = tpu.memref_slice %arg2[%dma_start3A_126, %dma_start3A_127] : memref<10000x128xf32, #tpu.memory_space<hbm>> -> memref<10000x128xf32, #tpu.memory_space<hbm>>
        tpu.enqueue_indirect_dma source(%dma_start3A_128 : memref<10000x128xf32, #tpu.memory_space<hbm>>) target(%arg10 : memref<100x128xf32, #tpu.memory_space<vmem>>) offsets(%dma_start3A_125 : memref<100xi32, #tpu.memory_space<vmem>>) semaphore(%arg13 : memref<!tpu.dma_semaphore, #tpu.memory_space<semaphore_mem>>)
      } else {
      }
      %mul3A_82 = arith.constant 2 : i32
      %mul3A_83 = arith.muli %scan3A_53, %mul3A_82 : i32
      %add3A_84 = arith.constant 1 : i32
      %add3A_85 = arith.addi %mul3A_83, %add3A_84 : i32
      %dma_wait3A_86 = arith.constant 0 : i32
      %dma_wait3A_87 = tpu.memref_slice %arg7[%add3A_85, %dma_wait3A_86] : memref<100x100xi32, #tpu.memory_space<vmem>> -> memref<1x100xi32, #tpu.memory_space<vmem>>
      %dma_wait3A_88 = tpu.memref_squeeze %dma_wait3A_87 : memref<1x100xi32, #tpu.memory_space<vmem>> -> memref<100xi32, #tpu.memory_space<vmem>>
      %dma_wait3A_89 = arith.constant 0 : i32
      %dma_wait3A_90 = arith.constant 0 : i32
      %dma_wait3A_91 = tpu.memref_slice %arg2[%dma_wait3A_89, %dma_wait3A_90] : memref<10000x128xf32, #tpu.memory_space<hbm>> -> memref<10000x128xf32, #tpu.memory_space<hbm>>
      tpu.wait_indirect_dma semaphore(%arg14 : memref<!tpu.dma_semaphore, #tpu.memory_space<semaphore_mem>>) src(%dma_wait3A_91 : memref<10000x128xf32, #tpu.memory_space<hbm>>) dst(%arg11 : memref<100x128xf32, #tpu.memory_space<vmem>>)
      %add3A_92 = arith.addi %mul3A_8, %add3A_85 : i32
      %dma_wait3A_93 = arith.constant 0 : i32
      %dma_wait3A_94 = tpu.memref_slice %arg4[%add3A_92, %dma_wait3A_93] : memref<3200x100xi32, #tpu.memory_space<hbm>> -> memref<1x100xi32, #tpu.memory_space<hbm>>
      %dma_wait3A_95 = tpu.memref_squeeze %dma_wait3A_94 : memref<1x100xi32, #tpu.memory_space<hbm>> -> memref<100xi32, #tpu.memory_space<hbm>>
      %dma_wait3A_96 = arith.constant 0 : i32
      %dma_wait3A_97 = tpu.memref_slice %arg4[%add3A_92, %dma_wait3A_96] : memref<3200x100xi32, #tpu.memory_space<hbm>> -> memref<1x100xi32, #tpu.memory_space<hbm>>
      %dma_wait3A_98 = tpu.memref_squeeze %dma_wait3A_97 : memref<1x100xi32, #tpu.memory_space<hbm>> -> memref<100xi32, #tpu.memory_space<hbm>>
      tpu.wait_dma2 semaphore(%arg16 : memref<!tpu.dma_semaphore, #tpu.memory_space<semaphore_mem>>) src(%dma_wait3A_98 : memref<100xi32, #tpu.memory_space<hbm>>) dst(%arg9 : memref<100xi32, #tpu.memory_space<vmem>>)
      %dma_start3A_99 = arith.constant 0 : i32
      %dma_start3A_100 = arith.constant 0 : i32
      %dma_start3A_101 = tpu.memref_slice %arg12[%dma_start3A_99, %dma_start3A_100] : memref<10000x128xf32, #tpu.memory_space<vmem_shared>> -> memref<10000x128xf32, #tpu.memory_space<vmem_shared>>
      tpu.enqueue_indirect_dma source(%arg11 : memref<100x128xf32, #tpu.memory_space<vmem>>) target(%dma_start3A_101 : memref<10000x128xf32, #tpu.memory_space<vmem_shared>>) offsets(%arg9 : memref<100xi32, #tpu.memory_space<vmem>>) semaphore(%arg18 : memref<!tpu.dma_semaphore, #tpu.memory_space<semaphore_mem>>) {add = true}
      %dma_wait3A_102 = arith.constant 0 : i32
      %dma_wait3A_103 = arith.constant 0 : i32
      %dma_wait3A_104 = tpu.memref_slice %arg12[%dma_wait3A_102, %dma_wait3A_103] : memref<10000x128xf32, #tpu.memory_space<vmem_shared>> -> memref<10000x128xf32, #tpu.memory_space<vmem_shared>>
      tpu.wait_indirect_dma semaphore(%arg18 : memref<!tpu.dma_semaphore, #tpu.memory_space<semaphore_mem>>) src(%arg11 : memref<100x128xf32, #tpu.memory_space<vmem>>) dst(%dma_wait3A_104 : memref<10000x128xf32, #tpu.memory_space<vmem_shared>>)
      %add3A_105 = arith.constant 2 : i32
      %add3A_106 = arith.addi %add3A_85, %add3A_105 : i32
      %lt3A_107 = arith.constant 100 : i32
      %lt3A_108 = arith.cmpi slt, %add3A_106, %lt3A_107 : i32
      %convert_element_type3A_109 = arith.extui %lt3A_108 : i1 to i32
      %cond3A_110 = arith.constant 0 : i32
      %cond3A_111 = arith.cmpi ne, %convert_element_type3A_109, %cond3A_110 : i32
      scf.if %cond3A_111 {
        %add3A_112 = arith.addi %mul3A_8, %add3A_85 : i32
        %add3A_113 = arith.constant 2 : i32
        %add3A_114 = arith.addi %add3A_112, %add3A_113 : i32
        %dma_start3A_115 = arith.constant 0 : i32
        %dma_start3A_116 = tpu.memref_slice %arg4[%add3A_114, %dma_start3A_115] : memref<3200x100xi32, #tpu.memory_space<hbm>> -> memref<1x100xi32, #tpu.memory_space<hbm>>
        %dma_start3A_117 = tpu.memref_squeeze %dma_start3A_116 : memref<1x100xi32, #tpu.memory_space<hbm>> -> memref<100xi32, #tpu.memory_space<hbm>>
        %dma_start3A_118 = arith.constant 0 : i32
        %dma_start3A_119 = tpu.memref_slice %arg4[%add3A_114, %dma_start3A_118] : memref<3200x100xi32, #tpu.memory_space<hbm>> -> memref<1x100xi32, #tpu.memory_space<hbm>>
        %dma_start3A_120 = tpu.memref_squeeze %dma_start3A_119 : memref<1x100xi32, #tpu.memory_space<hbm>> -> memref<100xi32, #tpu.memory_space<hbm>>
        tpu.enqueue_dma source(%dma_start3A_120 : memref<100xi32, #tpu.memory_space<hbm>>) target(%arg9 : memref<100xi32, #tpu.memory_space<vmem>>) target_semaphore(%arg16 : memref<!tpu.dma_semaphore, #tpu.memory_space<semaphore_mem>>)
        %add3A_121 = arith.constant 2 : i32
        %add3A_122 = arith.addi %add3A_85, %add3A_121 : i32
        %dma_start3A_123 = arith.constant 0 : i32
        %dma_start3A_124 = tpu.memref_slice %arg7[%add3A_122, %dma_start3A_123] : memref<100x100xi32, #tpu.memory_space<vmem>> -> memref<1x100xi32, #tpu.memory_space<vmem>>
        %dma_start3A_125 = tpu.memref_squeeze %dma_start3A_124 : memref<1x100xi32, #tpu.memory_space<vmem>> -> memref<100xi32, #tpu.memory_space<vmem>>
        %dma_start3A_126 = arith.constant 0 : i32
        %dma_start3A_127 = arith.constant 0 : i32
        %dma_start3A_128 = tpu.memref_slice %arg2[%dma_start3A_126, %dma_start3A_127] : memref<10000x128xf32, #tpu.memory_space<hbm>> -> memref<10000x128xf32, #tpu.memory_space<hbm>>
        tpu.enqueue_indirect_dma source(%dma_start3A_128 : memref<10000x128xf32, #tpu.memory_space<hbm>>) target(%arg11 : memref<100x128xf32, #tpu.memory_space<vmem>>) offsets(%dma_start3A_125 : memref<100xi32, #tpu.memory_space<vmem>>) semaphore(%arg14 : memref<!tpu.dma_semaphore, #tpu.memory_space<semaphore_mem>>)
      } else {
      }
    }
    %scan3A_42 = arith.constant 50 : i32
    %barrier3A_43 = arith.constant 0 : index
    tpu.barrier barrier_id(%barrier3A_43)
    %mul3A_44 = arith.constant 624 : i32
    %mul3A_45 = arith.muli %arg1, %mul3A_44 : i32
    %mul3A_46 = arith.constant 624 : i32
    %mul3A_47 = arith.muli %arg1, %mul3A_46 : i32
    "tpu.region"() ({
      %run_scoped3A = tpu.sem_alloc : memref<!tpu.dma_semaphore, #tpu.memory_space<semaphore_mem>>
      %dma_start3A_53 = arith.constant 0 : i32
      %dma_start3A_54 = arith.constant 0 : i32
      %dma_start3A_55 = tpu.memref_slice %arg6[%arg0, %dma_start3A_53, %dma_start3A_54] : memref<2x10000x128xf32, #tpu.memory_space<hbm>> -> memref<1x10000x128xf32, #tpu.memory_space<hbm>>
      %dma_start3A_56 = tpu.memref_squeeze %dma_start3A_55 : memref<1x10000x128xf32, #tpu.memory_space<hbm>> -> memref<10000x128xf32, #tpu.memory_space<hbm>>
      %dma_start3A_57 = arith.constant 0 : i32
      %dma_start3A_58 = tpu.memref_slice %dma_start3A_56[%mul3A_47, %dma_start3A_57] : memref<10000x128xf32, #tpu.memory_space<hbm>> -> memref<624x128xf32, #tpu.memory_space<hbm>>
      %dma_start3A_59 = arith.constant 0 : i32
      %dma_start3A_60 = tpu.memref_slice %arg12[%mul3A_45, %dma_start3A_59] : memref<10000x128xf32, #tpu.memory_space<vmem_shared>> -> memref<624x128xf32, #tpu.memory_space<vmem_shared>>
      tpu.enqueue_dma source(%dma_start3A_60 : memref<624x128xf32, #tpu.memory_space<vmem_shared>>) target(%dma_start3A_58 : memref<624x128xf32, #tpu.memory_space<hbm>>) target_semaphore(%run_scoped3A : memref<!tpu.dma_semaphore, #tpu.memory_space<semaphore_mem>>)
      %dma_wait3A = arith.constant 0 : i32
      %dma_wait3A_61 = arith.constant 0 : i32
      %dma_wait3A_62 = tpu.memref_slice %arg6[%arg0, %dma_wait3A, %dma_wait3A_61] : memref<2x10000x128xf32, #tpu.memory_space<hbm>> -> memref<1x10000x128xf32, #tpu.memory_space<hbm>>
      %dma_wait3A_63 = tpu.memref_squeeze %dma_wait3A_62 : memref<1x10000x128xf32, #tpu.memory_space<hbm>> -> memref<10000x128xf32, #tpu.memory_space<hbm>>
      %dma_wait3A_64 = arith.constant 0 : i32
      %dma_wait3A_65 = tpu.memref_slice %dma_wait3A_63[%mul3A_47, %dma_wait3A_64] : memref<10000x128xf32, #tpu.memory_space<hbm>> -> memref<624x128xf32, #tpu.memory_space<hbm>>
      %dma_wait3A_66 = arith.constant 0 : i32
      %dma_wait3A_67 = tpu.memref_slice %arg12[%mul3A_45, %dma_wait3A_66] : memref<10000x128xf32, #tpu.memory_space<vmem_shared>> -> memref<624x128xf32, #tpu.memory_space<vmem_shared>>
      tpu.wait_dma2 semaphore(%run_scoped3A : memref<!tpu.dma_semaphore, #tpu.memory_space<semaphore_mem>>) src(%dma_wait3A_67 : memref<624x128xf32, #tpu.memory_space<vmem_shared>>) dst(%dma_wait3A_65 : memref<624x128xf32, #tpu.memory_space<hbm>>)
      tpu.yield
    }) : () -> ()
    %eq3A_48 = arith.constant 0 : i32
    %eq3A_49 = arith.cmpi eq, %arg1, %eq3A_48 : i32
    %convert_element_type3A_50 = arith.extui %eq3A_49 : i1 to i32
    %cond3A_51 = arith.constant 0 : i32
    %cond3A_52 = arith.cmpi ne, %convert_element_type3A_50, %cond3A_51 : i32
    scf.if %cond3A_52 {
      "tpu.region"() ({
        %run_scoped3A = tpu.sem_alloc : memref<!tpu.dma_semaphore, #tpu.memory_space<semaphore_mem>>
        %dma_start3A_53 = arith.constant 0 : i32
        %dma_start3A_54 = arith.constant 0 : i32
        %dma_start3A_55 = tpu.memref_slice %arg6[%arg0, %dma_start3A_53, %dma_start3A_54] : memref<2x10000x128xf32, #tpu.memory_space<hbm>> -> memref<1x10000x128xf32, #tpu.memory_space<hbm>>
        %dma_start3A_56 = tpu.memref_squeeze %dma_start3A_55 : memref<1x10000x128xf32, #tpu.memory_space<hbm>> -> memref<10000x128xf32, #tpu.memory_space<hbm>>
        %dma_start3A_57 = arith.constant 9984 : i32
        %dma_start3A_58 = arith.constant 0 : i32
        %dma_start3A_59 = tpu.memref_slice %dma_start3A_56[%dma_start3A_57, %dma_start3A_58] : memref<10000x128xf32, #tpu.memory_space<hbm>> -> memref<16x128xf32, #tpu.memory_space<hbm>>
        %dma_start3A_60 = arith.constant 9984 : i32
        %dma_start3A_61 = arith.constant 0 : i32
        %dma_start3A_62 = tpu.memref_slice %arg12[%dma_start3A_60, %dma_start3A_61] : memref<10000x128xf32, #tpu.memory_space<vmem_shared>> -> memref<16x128xf32, #tpu.memory_space<vmem_shared>>
        tpu.enqueue_dma source(%dma_start3A_62 : memref<16x128xf32, #tpu.memory_space<vmem_shared>>) target(%dma_start3A_59 : memref<16x128xf32, #tpu.memory_space<hbm>>) target_semaphore(%run_scoped3A : memref<!tpu.dma_semaphore, #tpu.memory_space<semaphore_mem>>)
        %dma_wait3A = arith.constant 0 : i32
        %dma_wait3A_63 = arith.constant 0 : i32
        %dma_wait3A_64 = tpu.memref_slice %arg6[%arg0, %dma_wait3A, %dma_wait3A_63] : memref<2x10000x128xf32, #tpu.memory_space<hbm>> -> memref<1x10000x128xf32, #tpu.memory_space<hbm>>
        %dma_wait3A_65 = tpu.memref_squeeze %dma_wait3A_64 : memref<1x10000x128xf32, #tpu.memory_space<hbm>> -> memref<10000x128xf32, #tpu.memory_space<hbm>>
        %dma_wait3A_66 = arith.constant 9984 : i32
        %dma_wait3A_67 = arith.constant 0 : i32
        %dma_wait3A_68 = tpu.memref_slice %dma_wait3A_65[%dma_wait3A_66, %dma_wait3A_67] : memref<10000x128xf32, #tpu.memory_space<hbm>> -> memref<16x128xf32, #tpu.memory_space<hbm>>
        %dma_wait3A_69 = arith.constant 9984 : i32
        %dma_wait3A_70 = arith.constant 0 : i32
        %dma_wait3A_71 = tpu.memref_slice %arg12[%dma_wait3A_69, %dma_wait3A_70] : memref<10000x128xf32, #tpu.memory_space<vmem_shared>> -> memref<16x128xf32, #tpu.memory_space<vmem_shared>>
        tpu.wait_dma2 semaphore(%run_scoped3A : memref<!tpu.dma_semaphore, #tpu.memory_space<semaphore_mem>>) src(%dma_wait3A_71 : memref<16x128xf32, #tpu.memory_space<vmem_shared>>) dst(%dma_wait3A_68 : memref<16x128xf32, #tpu.memory_space<hbm>>)
        tpu.yield
      }) : () -> ()
    } else {
    }
    return
  }
}

#map = affine_map<(d0, d1) -> (0, 0)>
#map1 = affine_map<(d0, d1) -> (0, 0, 0)>
module attributes {stable_mosaic.version = 14 : i64} {
  func.func @_scatter(%arg0: i32, %arg1: i32, %arg2: memref<10000x64xf32, #tpu.memory_space<hbm>>, %arg3: memref<3200x100xi32, #tpu.memory_space<hbm>>, %arg4: memref<3200x100xi32, #tpu.memory_space<hbm>>, %arg5: memref<10000x64xf32, #tpu.memory_space<hbm>>, %arg6: memref<2x10000x64xf32, #tpu.memory_space<hbm>>, %arg7: memref<100x100xi32, #tpu.memory_space<vmem>>, %arg8: memref<100xi32, #tpu.memory_space<vmem>>, %arg9: memref<100xi32, #tpu.memory_space<vmem>>, %arg10: memref<100xi32, #tpu.memory_space<vmem>>, %arg11: memref<100xi32, #tpu.memory_space<vmem>>, %arg12: memref<100x64xf32, #tpu.memory_space<vmem>>, %arg13: memref<100x64xf32, #tpu.memory_space<vmem>>, %arg14: memref<100x64xf32, #tpu.memory_space<vmem>>, %arg15: memref<100x64xf32, #tpu.memory_space<vmem>>, %arg16: memref<10000x64xf32, #tpu.memory_space<vmem_shared>>, %arg17: memref<!tpu.dma_semaphore, #tpu.memory_space<semaphore_mem>>, %arg18: memref<!tpu.dma_semaphore, #tpu.memory_space<semaphore_mem>>, %arg19: memref<!tpu.dma_semaphore, #tpu.memory_space<semaphore_mem>>, %arg20: memref<!tpu.dma_semaphore, #tpu.memory_space<semaphore_mem>>, %arg21: memref<!tpu.dma_semaphore, #tpu.memory_space<semaphore_mem>>, %arg22: memref<!tpu.dma_semaphore, #tpu.memory_space<semaphore_mem>>, %arg23: memref<!tpu.dma_semaphore, #tpu.memory_space<semaphore_mem>>, %arg24: memref<!tpu.dma_semaphore, #tpu.memory_space<semaphore_mem>>, %arg25: memref<!tpu.dma_semaphore, #tpu.memory_space<semaphore_mem>>, %arg26: memref<!tpu.dma_semaphore, #tpu.memory_space<semaphore_mem>>, %arg27: memref<!tpu.dma_semaphore, #tpu.memory_space<semaphore_mem>>, %arg28: memref<!tpu.dma_semaphore, #tpu.memory_space<semaphore_mem>>) attributes {dimension_semantics = [#tpu.dimension_semantics<core_parallel>, #tpu.dimension_semantics<subcore_parallel>], iteration_bounds = array<i64: 2, 16>, scalar_prefetch = 0 : i64, scratch_operands = 22 : i64, tpu.core_type = #tpu.core_type<sc_vector_subcore>, window_params = [{transform_indices = #map}, {transform_indices = #map}, {transform_indices = #map}, {transform_indices = #map}, {transform_indices = #map1}]} {
    %mul3A = arith.constant 624 : i32
    %mul3A_0 = arith.muli %arg1, %mul3A : i32
    %mul3A_1 = arith.constant 624 : i32
    %mul3A_2 = arith.muli %arg1, %mul3A_1 : i32
    "tpu.region"() ({
      %run_scoped3A = tpu.sem_alloc : memref<!tpu.dma_semaphore, #tpu.memory_space<semaphore_mem>>
      %dma_start3A_83 = arith.constant 0 : i32
      %dma_start3A_84 = tpu.memref_slice %arg16[%mul3A_2, %dma_start3A_83] : memref<10000x64xf32, #tpu.memory_space<vmem_shared>> -> memref<624x64xf32, #tpu.memory_space<vmem_shared>>
      %dma_start3A_85 = arith.constant 0 : i32
      %dma_start3A_86 = tpu.memref_slice %arg5[%mul3A_0, %dma_start3A_85] : memref<10000x64xf32, #tpu.memory_space<hbm>> -> memref<624x64xf32, #tpu.memory_space<hbm>>
      tpu.enqueue_dma source(%dma_start3A_86 : memref<624x64xf32, #tpu.memory_space<hbm>>) target(%dma_start3A_84 : memref<624x64xf32, #tpu.memory_space<vmem_shared>>) target_semaphore(%run_scoped3A : memref<!tpu.dma_semaphore, #tpu.memory_space<semaphore_mem>>)
      %dma_wait3A = arith.constant 0 : i32
      %dma_wait3A_87 = tpu.memref_slice %arg16[%mul3A_2, %dma_wait3A] : memref<10000x64xf32, #tpu.memory_space<vmem_shared>> -> memref<624x64xf32, #tpu.memory_space<vmem_shared>>
      %dma_wait3A_88 = arith.constant 0 : i32
      %dma_wait3A_89 = tpu.memref_slice %arg5[%mul3A_0, %dma_wait3A_88] : memref<10000x64xf32, #tpu.memory_space<hbm>> -> memref<624x64xf32, #tpu.memory_space<hbm>>
      tpu.wait_dma2 semaphore(%run_scoped3A : memref<!tpu.dma_semaphore, #tpu.memory_space<semaphore_mem>>) src(%dma_wait3A_89 : memref<624x64xf32, #tpu.memory_space<hbm>>) dst(%dma_wait3A_87 : memref<624x64xf32, #tpu.memory_space<vmem_shared>>)
      tpu.yield
    }) : () -> ()
    %eq3A = arith.constant 0 : i32
    %eq3A_3 = arith.cmpi eq, %arg1, %eq3A : i32
    %convert_element_type3A = arith.extui %eq3A_3 : i1 to i32
    %cond3A = arith.constant 0 : i32
    %cond3A_4 = arith.cmpi ne, %convert_element_type3A, %cond3A : i32
    scf.if %cond3A_4 {
      "tpu.region"() ({
        %run_scoped3A = tpu.sem_alloc : memref<!tpu.dma_semaphore, #tpu.memory_space<semaphore_mem>>
        %dma_start3A_83 = arith.constant 9984 : i32
        %dma_start3A_84 = arith.constant 0 : i32
        %dma_start3A_85 = tpu.memref_slice %arg16[%dma_start3A_83, %dma_start3A_84] : memref<10000x64xf32, #tpu.memory_space<vmem_shared>> -> memref<16x64xf32, #tpu.memory_space<vmem_shared>>
        %dma_start3A_86 = arith.constant 9984 : i32
        %dma_start3A_87 = arith.constant 0 : i32
        %dma_start3A_88 = tpu.memref_slice %arg5[%dma_start3A_86, %dma_start3A_87] : memref<10000x64xf32, #tpu.memory_space<hbm>> -> memref<16x64xf32, #tpu.memory_space<hbm>>
        tpu.enqueue_dma source(%dma_start3A_88 : memref<16x64xf32, #tpu.memory_space<hbm>>) target(%dma_start3A_85 : memref<16x64xf32, #tpu.memory_space<vmem_shared>>) target_semaphore(%run_scoped3A : memref<!tpu.dma_semaphore, #tpu.memory_space<semaphore_mem>>)
        %dma_wait3A = arith.constant 9984 : i32
        %dma_wait3A_89 = arith.constant 0 : i32
        %dma_wait3A_90 = tpu.memref_slice %arg16[%dma_wait3A, %dma_wait3A_89] : memref<10000x64xf32, #tpu.memory_space<vmem_shared>> -> memref<16x64xf32, #tpu.memory_space<vmem_shared>>
        %dma_wait3A_91 = arith.constant 9984 : i32
        %dma_wait3A_92 = arith.constant 0 : i32
        %dma_wait3A_93 = tpu.memref_slice %arg5[%dma_wait3A_91, %dma_wait3A_92] : memref<10000x64xf32, #tpu.memory_space<hbm>> -> memref<16x64xf32, #tpu.memory_space<hbm>>
        tpu.wait_dma2 semaphore(%run_scoped3A : memref<!tpu.dma_semaphore, #tpu.memory_space<semaphore_mem>>) src(%dma_wait3A_93 : memref<16x64xf32, #tpu.memory_space<hbm>>) dst(%dma_wait3A_90 : memref<16x64xf32, #tpu.memory_space<vmem_shared>>)
        tpu.yield
      }) : () -> ()
    } else {
    }
    %mul3A_5 = arith.constant 16 : i32
    %mul3A_6 = arith.muli %arg0, %mul3A_5 : i32
    %add3A = arith.addi %mul3A_6, %arg1 : i32
    %mul3A_7 = arith.constant 100 : i32
    %mul3A_8 = arith.muli %add3A, %mul3A_7 : i32
    "tpu.region"() ({
      %run_scoped3A = tpu.sem_alloc : memref<!tpu.dma_semaphore, #tpu.memory_space<semaphore_mem>>
      %dma_start3A_83 = arith.constant 0 : i32
      %dma_start3A_84 = tpu.memref_slice %arg3[%mul3A_8, %dma_start3A_83] : memref<3200x100xi32, #tpu.memory_space<hbm>> -> memref<100x100xi32, #tpu.memory_space<hbm>>
      %dma_start3A_85 = arith.constant 0 : i32
      %dma_start3A_86 = tpu.memref_slice %arg3[%mul3A_8, %dma_start3A_85] : memref<3200x100xi32, #tpu.memory_space<hbm>> -> memref<100x100xi32, #tpu.memory_space<hbm>>
      tpu.enqueue_dma source(%dma_start3A_86 : memref<100x100xi32, #tpu.memory_space<hbm>>) target(%arg7 : memref<100x100xi32, #tpu.memory_space<vmem>>) target_semaphore(%run_scoped3A : memref<!tpu.dma_semaphore, #tpu.memory_space<semaphore_mem>>)
      %dma_wait3A = arith.constant 0 : i32
      %dma_wait3A_87 = tpu.memref_slice %arg3[%mul3A_8, %dma_wait3A] : memref<3200x100xi32, #tpu.memory_space<hbm>> -> memref<100x100xi32, #tpu.memory_space<hbm>>
      %dma_wait3A_88 = arith.constant 0 : i32
      %dma_wait3A_89 = tpu.memref_slice %arg3[%mul3A_8, %dma_wait3A_88] : memref<3200x100xi32, #tpu.memory_space<hbm>> -> memref<100x100xi32, #tpu.memory_space<hbm>>
      tpu.wait_dma2 semaphore(%run_scoped3A : memref<!tpu.dma_semaphore, #tpu.memory_space<semaphore_mem>>) src(%dma_wait3A_89 : memref<100x100xi32, #tpu.memory_space<hbm>>) dst(%arg7 : memref<100x100xi32, #tpu.memory_space<vmem>>)
      tpu.yield
    }) : () -> ()
    %barrier3A = arith.constant 0 : index
    tpu.barrier barrier_id(%barrier3A)
    %add3A_9 = arith.constant 0 : i32
    %add3A_10 = arith.addi %mul3A_8, %add3A_9 : i32
    %dma_start3A = arith.constant 0 : i32
    %dma_start3A_11 = tpu.memref_slice %arg4[%add3A_10, %dma_start3A] : memref<3200x100xi32, #tpu.memory_space<hbm>> -> memref<1x100xi32, #tpu.memory_space<hbm>>
    %dma_start3A_12 = tpu.memref_squeeze %dma_start3A_11 : memref<1x100xi32, #tpu.memory_space<hbm>> -> memref<100xi32, #tpu.memory_space<hbm>>
    %dma_start3A_13 = arith.constant 0 : i32
    %dma_start3A_14 = tpu.memref_slice %arg4[%add3A_10, %dma_start3A_13] : memref<3200x100xi32, #tpu.memory_space<hbm>> -> memref<1x100xi32, #tpu.memory_space<hbm>>
    %dma_start3A_15 = tpu.memref_squeeze %dma_start3A_14 : memref<1x100xi32, #tpu.memory_space<hbm>> -> memref<100xi32, #tpu.memory_space<hbm>>
    tpu.enqueue_dma source(%dma_start3A_15 : memref<100xi32, #tpu.memory_space<hbm>>) target(%arg8 : memref<100xi32, #tpu.memory_space<vmem>>) target_semaphore(%arg21 : memref<!tpu.dma_semaphore, #tpu.memory_space<semaphore_mem>>)
    %dma_start3A_16 = arith.constant 0 : i32
    %dma_start3A_17 = arith.constant 0 : i32
    %dma_start3A_18 = tpu.memref_slice %arg7[%dma_start3A_16, %dma_start3A_17] : memref<100x100xi32, #tpu.memory_space<vmem>> -> memref<1x100xi32, #tpu.memory_space<vmem>>
    %dma_start3A_19 = tpu.memref_squeeze %dma_start3A_18 : memref<1x100xi32, #tpu.memory_space<vmem>> -> memref<100xi32, #tpu.memory_space<vmem>>
    %dma_start3A_20 = arith.constant 0 : i32
    %dma_start3A_21 = arith.constant 0 : i32
    %dma_start3A_22 = tpu.memref_slice %arg2[%dma_start3A_20, %dma_start3A_21] : memref<10000x64xf32, #tpu.memory_space<hbm>> -> memref<10000x64xf32, #tpu.memory_space<hbm>>
    tpu.enqueue_indirect_dma source(%dma_start3A_22 : memref<10000x64xf32, #tpu.memory_space<hbm>>) target(%arg12 : memref<100x64xf32, #tpu.memory_space<vmem>>) offsets(%dma_start3A_19 : memref<100xi32, #tpu.memory_space<vmem>>) semaphore(%arg17 : memref<!tpu.dma_semaphore, #tpu.memory_space<semaphore_mem>>)
    %add3A_23 = arith.constant 1 : i32
    %add3A_24 = arith.addi %mul3A_8, %add3A_23 : i32
    %dma_start3A_25 = arith.constant 0 : i32
    %dma_start3A_26 = tpu.memref_slice %arg4[%add3A_24, %dma_start3A_25] : memref<3200x100xi32, #tpu.memory_space<hbm>> -> memref<1x100xi32, #tpu.memory_space<hbm>>
    %dma_start3A_27 = tpu.memref_squeeze %dma_start3A_26 : memref<1x100xi32, #tpu.memory_space<hbm>> -> memref<100xi32, #tpu.memory_space<hbm>>
    %dma_start3A_28 = arith.constant 0 : i32
    %dma_start3A_29 = tpu.memref_slice %arg4[%add3A_24, %dma_start3A_28] : memref<3200x100xi32, #tpu.memory_space<hbm>> -> memref<1x100xi32, #tpu.memory_space<hbm>>
    %dma_start3A_30 = tpu.memref_squeeze %dma_start3A_29 : memref<1x100xi32, #tpu.memory_space<hbm>> -> memref<100xi32, #tpu.memory_space<hbm>>
    tpu.enqueue_dma source(%dma_start3A_30 : memref<100xi32, #tpu.memory_space<hbm>>) target(%arg9 : memref<100xi32, #tpu.memory_space<vmem>>) target_semaphore(%arg22 : memref<!tpu.dma_semaphore, #tpu.memory_space<semaphore_mem>>)
    %dma_start3A_31 = arith.constant 1 : i32
    %dma_start3A_32 = arith.constant 0 : i32
    %dma_start3A_33 = tpu.memref_slice %arg7[%dma_start3A_31, %dma_start3A_32] : memref<100x100xi32, #tpu.memory_space<vmem>> -> memref<1x100xi32, #tpu.memory_space<vmem>>
    %dma_start3A_34 = tpu.memref_squeeze %dma_start3A_33 : memref<1x100xi32, #tpu.memory_space<vmem>> -> memref<100xi32, #tpu.memory_space<vmem>>
    %dma_start3A_35 = arith.constant 0 : i32
    %dma_start3A_36 = arith.constant 0 : i32
    %dma_start3A_37 = tpu.memref_slice %arg2[%dma_start3A_35, %dma_start3A_36] : memref<10000x64xf32, #tpu.memory_space<hbm>> -> memref<10000x64xf32, #tpu.memory_space<hbm>>
    tpu.enqueue_indirect_dma source(%dma_start3A_37 : memref<10000x64xf32, #tpu.memory_space<hbm>>) target(%arg13 : memref<100x64xf32, #tpu.memory_space<vmem>>) offsets(%dma_start3A_34 : memref<100xi32, #tpu.memory_space<vmem>>) semaphore(%arg18 : memref<!tpu.dma_semaphore, #tpu.memory_space<semaphore_mem>>)
    %add3A_38 = arith.constant 2 : i32
    %add3A_39 = arith.addi %mul3A_8, %add3A_38 : i32
    %dma_start3A_40 = arith.constant 0 : i32
    %dma_start3A_41 = tpu.memref_slice %arg4[%add3A_39, %dma_start3A_40] : memref<3200x100xi32, #tpu.memory_space<hbm>> -> memref<1x100xi32, #tpu.memory_space<hbm>>
    %dma_start3A_42 = tpu.memref_squeeze %dma_start3A_41 : memref<1x100xi32, #tpu.memory_space<hbm>> -> memref<100xi32, #tpu.memory_space<hbm>>
    %dma_start3A_43 = arith.constant 0 : i32
    %dma_start3A_44 = tpu.memref_slice %arg4[%add3A_39, %dma_start3A_43] : memref<3200x100xi32, #tpu.memory_space<hbm>> -> memref<1x100xi32, #tpu.memory_space<hbm>>
    %dma_start3A_45 = tpu.memref_squeeze %dma_start3A_44 : memref<1x100xi32, #tpu.memory_space<hbm>> -> memref<100xi32, #tpu.memory_space<hbm>>
    tpu.enqueue_dma source(%dma_start3A_45 : memref<100xi32, #tpu.memory_space<hbm>>) target(%arg10 : memref<100xi32, #tpu.memory_space<vmem>>) target_semaphore(%arg23 : memref<!tpu.dma_semaphore, #tpu.memory_space<semaphore_mem>>)
    %dma_start3A_46 = arith.constant 2 : i32
    %dma_start3A_47 = arith.constant 0 : i32
    %dma_start3A_48 = tpu.memref_slice %arg7[%dma_start3A_46, %dma_start3A_47] : memref<100x100xi32, #tpu.memory_space<vmem>> -> memref<1x100xi32, #tpu.memory_space<vmem>>
    %dma_start3A_49 = tpu.memref_squeeze %dma_start3A_48 : memref<1x100xi32, #tpu.memory_space<vmem>> -> memref<100xi32, #tpu.memory_space<vmem>>
    %dma_start3A_50 = arith.constant 0 : i32
    %dma_start3A_51 = arith.constant 0 : i32
    %dma_start3A_52 = tpu.memref_slice %arg2[%dma_start3A_50, %dma_start3A_51] : memref<10000x64xf32, #tpu.memory_space<hbm>> -> memref<10000x64xf32, #tpu.memory_space<hbm>>
    tpu.enqueue_indirect_dma source(%dma_start3A_52 : memref<10000x64xf32, #tpu.memory_space<hbm>>) target(%arg14 : memref<100x64xf32, #tpu.memory_space<vmem>>) offsets(%dma_start3A_49 : memref<100xi32, #tpu.memory_space<vmem>>) semaphore(%arg19 : memref<!tpu.dma_semaphore, #tpu.memory_space<semaphore_mem>>)
    %add3A_53 = arith.constant 3 : i32
    %add3A_54 = arith.addi %mul3A_8, %add3A_53 : i32
    %dma_start3A_55 = arith.constant 0 : i32
    %dma_start3A_56 = tpu.memref_slice %arg4[%add3A_54, %dma_start3A_55] : memref<3200x100xi32, #tpu.memory_space<hbm>> -> memref<1x100xi32, #tpu.memory_space<hbm>>
    %dma_start3A_57 = tpu.memref_squeeze %dma_start3A_56 : memref<1x100xi32, #tpu.memory_space<hbm>> -> memref<100xi32, #tpu.memory_space<hbm>>
    %dma_start3A_58 = arith.constant 0 : i32
    %dma_start3A_59 = tpu.memref_slice %arg4[%add3A_54, %dma_start3A_58] : memref<3200x100xi32, #tpu.memory_space<hbm>> -> memref<1x100xi32, #tpu.memory_space<hbm>>
    %dma_start3A_60 = tpu.memref_squeeze %dma_start3A_59 : memref<1x100xi32, #tpu.memory_space<hbm>> -> memref<100xi32, #tpu.memory_space<hbm>>
    tpu.enqueue_dma source(%dma_start3A_60 : memref<100xi32, #tpu.memory_space<hbm>>) target(%arg11 : memref<100xi32, #tpu.memory_space<vmem>>) target_semaphore(%arg24 : memref<!tpu.dma_semaphore, #tpu.memory_space<semaphore_mem>>)
    %dma_start3A_61 = arith.constant 3 : i32
    %dma_start3A_62 = arith.constant 0 : i32
    %dma_start3A_63 = tpu.memref_slice %arg7[%dma_start3A_61, %dma_start3A_62] : memref<100x100xi32, #tpu.memory_space<vmem>> -> memref<1x100xi32, #tpu.memory_space<vmem>>
    %dma_start3A_64 = tpu.memref_squeeze %dma_start3A_63 : memref<1x100xi32, #tpu.memory_space<vmem>> -> memref<100xi32, #tpu.memory_space<vmem>>
    %dma_start3A_65 = arith.constant 0 : i32
    %dma_start3A_66 = arith.constant 0 : i32
    %dma_start3A_67 = tpu.memref_slice %arg2[%dma_start3A_65, %dma_start3A_66] : memref<10000x64xf32, #tpu.memory_space<hbm>> -> memref<10000x64xf32, #tpu.memory_space<hbm>>
    tpu.enqueue_indirect_dma source(%dma_start3A_67 : memref<10000x64xf32, #tpu.memory_space<hbm>>) target(%arg15 : memref<100x64xf32, #tpu.memory_space<vmem>>) offsets(%dma_start3A_64 : memref<100xi32, #tpu.memory_space<vmem>>) semaphore(%arg20 : memref<!tpu.dma_semaphore, #tpu.memory_space<semaphore_mem>>)
    %scan3A = arith.constant 0 : i32
    %scan3A_68 = arith.constant 0 : i32
    %scan3A_69 = arith.constant 25 : i32
    %scan3A_70 = arith.addi %scan3A_68, %scan3A_69 : i32
    %scan3A_71 = arith.constant 1 : i32
    scf.for %scan3A_83 = %scan3A_68 to %scan3A_70 step %scan3A_71  : i32 {
      %mul3A_84 = arith.constant 4 : i32
      %mul3A_85 = arith.muli %scan3A_83, %mul3A_84 : i32
      %add3A_86 = arith.constant 0 : i32
      %add3A_87 = arith.addi %mul3A_85, %add3A_86 : i32
      %dma_wait3A = arith.constant 0 : i32
      %dma_wait3A_88 = tpu.memref_slice %arg7[%add3A_87, %dma_wait3A] : memref<100x100xi32, #tpu.memory_space<vmem>> -> memref<1x100xi32, #tpu.memory_space<vmem>>
      %dma_wait3A_89 = tpu.memref_squeeze %dma_wait3A_88 : memref<1x100xi32, #tpu.memory_space<vmem>> -> memref<100xi32, #tpu.memory_space<vmem>>
      %dma_wait3A_90 = arith.constant 0 : i32
      %dma_wait3A_91 = arith.constant 0 : i32
      %dma_wait3A_92 = tpu.memref_slice %arg2[%dma_wait3A_90, %dma_wait3A_91] : memref<10000x64xf32, #tpu.memory_space<hbm>> -> memref<10000x64xf32, #tpu.memory_space<hbm>>
      tpu.wait_indirect_dma semaphore(%arg17 : memref<!tpu.dma_semaphore, #tpu.memory_space<semaphore_mem>>) src(%dma_wait3A_92 : memref<10000x64xf32, #tpu.memory_space<hbm>>) dst(%arg12 : memref<100x64xf32, #tpu.memory_space<vmem>>)
      %add3A_93 = arith.addi %mul3A_8, %add3A_87 : i32
      %dma_wait3A_94 = arith.constant 0 : i32
      %dma_wait3A_95 = tpu.memref_slice %arg4[%add3A_93, %dma_wait3A_94] : memref<3200x100xi32, #tpu.memory_space<hbm>> -> memref<1x100xi32, #tpu.memory_space<hbm>>
      %dma_wait3A_96 = tpu.memref_squeeze %dma_wait3A_95 : memref<1x100xi32, #tpu.memory_space<hbm>> -> memref<100xi32, #tpu.memory_space<hbm>>
      %dma_wait3A_97 = arith.constant 0 : i32
      %dma_wait3A_98 = tpu.memref_slice %arg4[%add3A_93, %dma_wait3A_97] : memref<3200x100xi32, #tpu.memory_space<hbm>> -> memref<1x100xi32, #tpu.memory_space<hbm>>
      %dma_wait3A_99 = tpu.memref_squeeze %dma_wait3A_98 : memref<1x100xi32, #tpu.memory_space<hbm>> -> memref<100xi32, #tpu.memory_space<hbm>>
      tpu.wait_dma2 semaphore(%arg21 : memref<!tpu.dma_semaphore, #tpu.memory_space<semaphore_mem>>) src(%dma_wait3A_99 : memref<100xi32, #tpu.memory_space<hbm>>) dst(%arg8 : memref<100xi32, #tpu.memory_space<vmem>>)
      %dma_start3A_100 = arith.constant 0 : i32
      %dma_start3A_101 = arith.constant 0 : i32
      %dma_start3A_102 = tpu.memref_slice %arg16[%dma_start3A_100, %dma_start3A_101] : memref<10000x64xf32, #tpu.memory_space<vmem_shared>> -> memref<10000x64xf32, #tpu.memory_space<vmem_shared>>
      tpu.enqueue_indirect_dma source(%arg12 : memref<100x64xf32, #tpu.memory_space<vmem>>) target(%dma_start3A_102 : memref<10000x64xf32, #tpu.memory_space<vmem_shared>>) offsets(%arg8 : memref<100xi32, #tpu.memory_space<vmem>>) semaphore(%arg25 : memref<!tpu.dma_semaphore, #tpu.memory_space<semaphore_mem>>) {add = true}
      %dma_wait3A_103 = arith.constant 0 : i32
      %dma_wait3A_104 = arith.constant 0 : i32
      %dma_wait3A_105 = tpu.memref_slice %arg16[%dma_wait3A_103, %dma_wait3A_104] : memref<10000x64xf32, #tpu.memory_space<vmem_shared>> -> memref<10000x64xf32, #tpu.memory_space<vmem_shared>>
      tpu.wait_indirect_dma semaphore(%arg25 : memref<!tpu.dma_semaphore, #tpu.memory_space<semaphore_mem>>) src(%arg12 : memref<100x64xf32, #tpu.memory_space<vmem>>) dst(%dma_wait3A_105 : memref<10000x64xf32, #tpu.memory_space<vmem_shared>>)
      %add3A_106 = arith.constant 4 : i32
      %add3A_107 = arith.addi %add3A_87, %add3A_106 : i32
      %lt3A = arith.constant 100 : i32
      %lt3A_108 = arith.cmpi slt, %add3A_107, %lt3A : i32
      %convert_element_type3A_109 = arith.extui %lt3A_108 : i1 to i32
      %cond3A_110 = arith.constant 0 : i32
      %cond3A_111 = arith.cmpi ne, %convert_element_type3A_109, %cond3A_110 : i32
      scf.if %cond3A_111 {
        %add3A_202 = arith.addi %mul3A_8, %add3A_87 : i32
        %add3A_203 = arith.constant 4 : i32
        %add3A_204 = arith.addi %add3A_202, %add3A_203 : i32
        %dma_start3A_205 = arith.constant 0 : i32
        %dma_start3A_206 = tpu.memref_slice %arg4[%add3A_204, %dma_start3A_205] : memref<3200x100xi32, #tpu.memory_space<hbm>> -> memref<1x100xi32, #tpu.memory_space<hbm>>
        %dma_start3A_207 = tpu.memref_squeeze %dma_start3A_206 : memref<1x100xi32, #tpu.memory_space<hbm>> -> memref<100xi32, #tpu.memory_space<hbm>>
        %dma_start3A_208 = arith.constant 0 : i32
        %dma_start3A_209 = tpu.memref_slice %arg4[%add3A_204, %dma_start3A_208] : memref<3200x100xi32, #tpu.memory_space<hbm>> -> memref<1x100xi32, #tpu.memory_space<hbm>>
        %dma_start3A_210 = tpu.memref_squeeze %dma_start3A_209 : memref<1x100xi32, #tpu.memory_space<hbm>> -> memref<100xi32, #tpu.memory_space<hbm>>
        tpu.enqueue_dma source(%dma_start3A_210 : memref<100xi32, #tpu.memory_space<hbm>>) target(%arg8 : memref<100xi32, #tpu.memory_space<vmem>>) target_semaphore(%arg21 : memref<!tpu.dma_semaphore, #tpu.memory_space<semaphore_mem>>)
        %add3A_211 = arith.constant 4 : i32
        %add3A_212 = arith.addi %add3A_87, %add3A_211 : i32
        %dma_start3A_213 = arith.constant 0 : i32
        %dma_start3A_214 = tpu.memref_slice %arg7[%add3A_212, %dma_start3A_213] : memref<100x100xi32, #tpu.memory_space<vmem>> -> memref<1x100xi32, #tpu.memory_space<vmem>>
        %dma_start3A_215 = tpu.memref_squeeze %dma_start3A_214 : memref<1x100xi32, #tpu.memory_space<vmem>> -> memref<100xi32, #tpu.memory_space<vmem>>
        %dma_start3A_216 = arith.constant 0 : i32
        %dma_start3A_217 = arith.constant 0 : i32
        %dma_start3A_218 = tpu.memref_slice %arg2[%dma_start3A_216, %dma_start3A_217] : memref<10000x64xf32, #tpu.memory_space<hbm>> -> memref<10000x64xf32, #tpu.memory_space<hbm>>
        tpu.enqueue_indirect_dma source(%dma_start3A_218 : memref<10000x64xf32, #tpu.memory_space<hbm>>) target(%arg12 : memref<100x64xf32, #tpu.memory_space<vmem>>) offsets(%dma_start3A_215 : memref<100xi32, #tpu.memory_space<vmem>>) semaphore(%arg17 : memref<!tpu.dma_semaphore, #tpu.memory_space<semaphore_mem>>)
      } else {
      }
      %mul3A_112 = arith.constant 4 : i32
      %mul3A_113 = arith.muli %scan3A_83, %mul3A_112 : i32
      %add3A_114 = arith.constant 1 : i32
      %add3A_115 = arith.addi %mul3A_113, %add3A_114 : i32
      %dma_wait3A_116 = arith.constant 0 : i32
      %dma_wait3A_117 = tpu.memref_slice %arg7[%add3A_115, %dma_wait3A_116] : memref<100x100xi32, #tpu.memory_space<vmem>> -> memref<1x100xi32, #tpu.memory_space<vmem>>
      %dma_wait3A_118 = tpu.memref_squeeze %dma_wait3A_117 : memref<1x100xi32, #tpu.memory_space<vmem>> -> memref<100xi32, #tpu.memory_space<vmem>>
      %dma_wait3A_119 = arith.constant 0 : i32
      %dma_wait3A_120 = arith.constant 0 : i32
      %dma_wait3A_121 = tpu.memref_slice %arg2[%dma_wait3A_119, %dma_wait3A_120] : memref<10000x64xf32, #tpu.memory_space<hbm>> -> memref<10000x64xf32, #tpu.memory_space<hbm>>
      tpu.wait_indirect_dma semaphore(%arg18 : memref<!tpu.dma_semaphore, #tpu.memory_space<semaphore_mem>>) src(%dma_wait3A_121 : memref<10000x64xf32, #tpu.memory_space<hbm>>) dst(%arg13 : memref<100x64xf32, #tpu.memory_space<vmem>>)
      %add3A_122 = arith.addi %mul3A_8, %add3A_115 : i32
      %dma_wait3A_123 = arith.constant 0 : i32
      %dma_wait3A_124 = tpu.memref_slice %arg4[%add3A_122, %dma_wait3A_123] : memref<3200x100xi32, #tpu.memory_space<hbm>> -> memref<1x100xi32, #tpu.memory_space<hbm>>
      %dma_wait3A_125 = tpu.memref_squeeze %dma_wait3A_124 : memref<1x100xi32, #tpu.memory_space<hbm>> -> memref<100xi32, #tpu.memory_space<hbm>>
      %dma_wait3A_126 = arith.constant 0 : i32
      %dma_wait3A_127 = tpu.memref_slice %arg4[%add3A_122, %dma_wait3A_126] : memref<3200x100xi32, #tpu.memory_space<hbm>> -> memref<1x100xi32, #tpu.memory_space<hbm>>
      %dma_wait3A_128 = tpu.memref_squeeze %dma_wait3A_127 : memref<1x100xi32, #tpu.memory_space<hbm>> -> memref<100xi32, #tpu.memory_space<hbm>>
      tpu.wait_dma2 semaphore(%arg22 : memref<!tpu.dma_semaphore, #tpu.memory_space<semaphore_mem>>) src(%dma_wait3A_128 : memref<100xi32, #tpu.memory_space<hbm>>) dst(%arg9 : memref<100xi32, #tpu.memory_space<vmem>>)
      %dma_start3A_129 = arith.constant 0 : i32
      %dma_start3A_130 = arith.constant 0 : i32
      %dma_start3A_131 = tpu.memref_slice %arg16[%dma_start3A_129, %dma_start3A_130] : memref<10000x64xf32, #tpu.memory_space<vmem_shared>> -> memref<10000x64xf32, #tpu.memory_space<vmem_shared>>
      tpu.enqueue_indirect_dma source(%arg13 : memref<100x64xf32, #tpu.memory_space<vmem>>) target(%dma_start3A_131 : memref<10000x64xf32, #tpu.memory_space<vmem_shared>>) offsets(%arg9 : memref<100xi32, #tpu.memory_space<vmem>>) semaphore(%arg26 : memref<!tpu.dma_semaphore, #tpu.memory_space<semaphore_mem>>) {add = true}
      %dma_wait3A_132 = arith.constant 0 : i32
      %dma_wait3A_133 = arith.constant 0 : i32
      %dma_wait3A_134 = tpu.memref_slice %arg16[%dma_wait3A_132, %dma_wait3A_133] : memref<10000x64xf32, #tpu.memory_space<vmem_shared>> -> memref<10000x64xf32, #tpu.memory_space<vmem_shared>>
      tpu.wait_indirect_dma semaphore(%arg26 : memref<!tpu.dma_semaphore, #tpu.memory_space<semaphore_mem>>) src(%arg13 : memref<100x64xf32, #tpu.memory_space<vmem>>) dst(%dma_wait3A_134 : memref<10000x64xf32, #tpu.memory_space<vmem_shared>>)
      %add3A_135 = arith.constant 4 : i32
      %add3A_136 = arith.addi %add3A_115, %add3A_135 : i32
      %lt3A_137 = arith.constant 100 : i32
      %lt3A_138 = arith.cmpi slt, %add3A_136, %lt3A_137 : i32
      %convert_element_type3A_139 = arith.extui %lt3A_138 : i1 to i32
      %cond3A_140 = arith.constant 0 : i32
      %cond3A_141 = arith.cmpi ne, %convert_element_type3A_139, %cond3A_140 : i32
      scf.if %cond3A_141 {
        %add3A_202 = arith.addi %mul3A_8, %add3A_115 : i32
        %add3A_203 = arith.constant 4 : i32
        %add3A_204 = arith.addi %add3A_202, %add3A_203 : i32
        %dma_start3A_205 = arith.constant 0 : i32
        %dma_start3A_206 = tpu.memref_slice %arg4[%add3A_204, %dma_start3A_205] : memref<3200x100xi32, #tpu.memory_space<hbm>> -> memref<1x100xi32, #tpu.memory_space<hbm>>
        %dma_start3A_207 = tpu.memref_squeeze %dma_start3A_206 : memref<1x100xi32, #tpu.memory_space<hbm>> -> memref<100xi32, #tpu.memory_space<hbm>>
        %dma_start3A_208 = arith.constant 0 : i32
        %dma_start3A_209 = tpu.memref_slice %arg4[%add3A_204, %dma_start3A_208] : memref<3200x100xi32, #tpu.memory_space<hbm>> -> memref<1x100xi32, #tpu.memory_space<hbm>>
        %dma_start3A_210 = tpu.memref_squeeze %dma_start3A_209 : memref<1x100xi32, #tpu.memory_space<hbm>> -> memref<100xi32, #tpu.memory_space<hbm>>
        tpu.enqueue_dma source(%dma_start3A_210 : memref<100xi32, #tpu.memory_space<hbm>>) target(%arg9 : memref<100xi32, #tpu.memory_space<vmem>>) target_semaphore(%arg22 : memref<!tpu.dma_semaphore, #tpu.memory_space<semaphore_mem>>)
        %add3A_211 = arith.constant 4 : i32
        %add3A_212 = arith.addi %add3A_115, %add3A_211 : i32
        %dma_start3A_213 = arith.constant 0 : i32
        %dma_start3A_214 = tpu.memref_slice %arg7[%add3A_212, %dma_start3A_213] : memref<100x100xi32, #tpu.memory_space<vmem>> -> memref<1x100xi32, #tpu.memory_space<vmem>>
        %dma_start3A_215 = tpu.memref_squeeze %dma_start3A_214 : memref<1x100xi32, #tpu.memory_space<vmem>> -> memref<100xi32, #tpu.memory_space<vmem>>
        %dma_start3A_216 = arith.constant 0 : i32
        %dma_start3A_217 = arith.constant 0 : i32
        %dma_start3A_218 = tpu.memref_slice %arg2[%dma_start3A_216, %dma_start3A_217] : memref<10000x64xf32, #tpu.memory_space<hbm>> -> memref<10000x64xf32, #tpu.memory_space<hbm>>
        tpu.enqueue_indirect_dma source(%dma_start3A_218 : memref<10000x64xf32, #tpu.memory_space<hbm>>) target(%arg13 : memref<100x64xf32, #tpu.memory_space<vmem>>) offsets(%dma_start3A_215 : memref<100xi32, #tpu.memory_space<vmem>>) semaphore(%arg18 : memref<!tpu.dma_semaphore, #tpu.memory_space<semaphore_mem>>)
      } else {
      }
      %mul3A_142 = arith.constant 4 : i32
      %mul3A_143 = arith.muli %scan3A_83, %mul3A_142 : i32
      %add3A_144 = arith.constant 2 : i32
      %add3A_145 = arith.addi %mul3A_143, %add3A_144 : i32
      %dma_wait3A_146 = arith.constant 0 : i32
      %dma_wait3A_147 = tpu.memref_slice %arg7[%add3A_145, %dma_wait3A_146] : memref<100x100xi32, #tpu.memory_space<vmem>> -> memref<1x100xi32, #tpu.memory_space<vmem>>
      %dma_wait3A_148 = tpu.memref_squeeze %dma_wait3A_147 : memref<1x100xi32, #tpu.memory_space<vmem>> -> memref<100xi32, #tpu.memory_space<vmem>>
      %dma_wait3A_149 = arith.constant 0 : i32
      %dma_wait3A_150 = arith.constant 0 : i32
      %dma_wait3A_151 = tpu.memref_slice %arg2[%dma_wait3A_149, %dma_wait3A_150] : memref<10000x64xf32, #tpu.memory_space<hbm>> -> memref<10000x64xf32, #tpu.memory_space<hbm>>
      tpu.wait_indirect_dma semaphore(%arg19 : memref<!tpu.dma_semaphore, #tpu.memory_space<semaphore_mem>>) src(%dma_wait3A_151 : memref<10000x64xf32, #tpu.memory_space<hbm>>) dst(%arg14 : memref<100x64xf32, #tpu.memory_space<vmem>>)
      %add3A_152 = arith.addi %mul3A_8, %add3A_145 : i32
      %dma_wait3A_153 = arith.constant 0 : i32
      %dma_wait3A_154 = tpu.memref_slice %arg4[%add3A_152, %dma_wait3A_153] : memref<3200x100xi32, #tpu.memory_space<hbm>> -> memref<1x100xi32, #tpu.memory_space<hbm>>
      %dma_wait3A_155 = tpu.memref_squeeze %dma_wait3A_154 : memref<1x100xi32, #tpu.memory_space<hbm>> -> memref<100xi32, #tpu.memory_space<hbm>>
      %dma_wait3A_156 = arith.constant 0 : i32
      %dma_wait3A_157 = tpu.memref_slice %arg4[%add3A_152, %dma_wait3A_156] : memref<3200x100xi32, #tpu.memory_space<hbm>> -> memref<1x100xi32, #tpu.memory_space<hbm>>
      %dma_wait3A_158 = tpu.memref_squeeze %dma_wait3A_157 : memref<1x100xi32, #tpu.memory_space<hbm>> -> memref<100xi32, #tpu.memory_space<hbm>>
      tpu.wait_dma2 semaphore(%arg23 : memref<!tpu.dma_semaphore, #tpu.memory_space<semaphore_mem>>) src(%dma_wait3A_158 : memref<100xi32, #tpu.memory_space<hbm>>) dst(%arg10 : memref<100xi32, #tpu.memory_space<vmem>>)
      %dma_start3A_159 = arith.constant 0 : i32
      %dma_start3A_160 = arith.constant 0 : i32
      %dma_start3A_161 = tpu.memref_slice %arg16[%dma_start3A_159, %dma_start3A_160] : memref<10000x64xf32, #tpu.memory_space<vmem_shared>> -> memref<10000x64xf32, #tpu.memory_space<vmem_shared>>
      tpu.enqueue_indirect_dma source(%arg14 : memref<100x64xf32, #tpu.memory_space<vmem>>) target(%dma_start3A_161 : memref<10000x64xf32, #tpu.memory_space<vmem_shared>>) offsets(%arg10 : memref<100xi32, #tpu.memory_space<vmem>>) semaphore(%arg27 : memref<!tpu.dma_semaphore, #tpu.memory_space<semaphore_mem>>) {add = true}
      %dma_wait3A_162 = arith.constant 0 : i32
      %dma_wait3A_163 = arith.constant 0 : i32
      %dma_wait3A_164 = tpu.memref_slice %arg16[%dma_wait3A_162, %dma_wait3A_163] : memref<10000x64xf32, #tpu.memory_space<vmem_shared>> -> memref<10000x64xf32, #tpu.memory_space<vmem_shared>>
      tpu.wait_indirect_dma semaphore(%arg27 : memref<!tpu.dma_semaphore, #tpu.memory_space<semaphore_mem>>) src(%arg14 : memref<100x64xf32, #tpu.memory_space<vmem>>) dst(%dma_wait3A_164 : memref<10000x64xf32, #tpu.memory_space<vmem_shared>>)
      %add3A_165 = arith.constant 4 : i32
      %add3A_166 = arith.addi %add3A_145, %add3A_165 : i32
      %lt3A_167 = arith.constant 100 : i32
      %lt3A_168 = arith.cmpi slt, %add3A_166, %lt3A_167 : i32
      %convert_element_type3A_169 = arith.extui %lt3A_168 : i1 to i32
      %cond3A_170 = arith.constant 0 : i32
      %cond3A_171 = arith.cmpi ne, %convert_element_type3A_169, %cond3A_170 : i32
      scf.if %cond3A_171 {
        %add3A_202 = arith.addi %mul3A_8, %add3A_145 : i32
        %add3A_203 = arith.constant 4 : i32
        %add3A_204 = arith.addi %add3A_202, %add3A_203 : i32
        %dma_start3A_205 = arith.constant 0 : i32
        %dma_start3A_206 = tpu.memref_slice %arg4[%add3A_204, %dma_start3A_205] : memref<3200x100xi32, #tpu.memory_space<hbm>> -> memref<1x100xi32, #tpu.memory_space<hbm>>
        %dma_start3A_207 = tpu.memref_squeeze %dma_start3A_206 : memref<1x100xi32, #tpu.memory_space<hbm>> -> memref<100xi32, #tpu.memory_space<hbm>>
        %dma_start3A_208 = arith.constant 0 : i32
        %dma_start3A_209 = tpu.memref_slice %arg4[%add3A_204, %dma_start3A_208] : memref<3200x100xi32, #tpu.memory_space<hbm>> -> memref<1x100xi32, #tpu.memory_space<hbm>>
        %dma_start3A_210 = tpu.memref_squeeze %dma_start3A_209 : memref<1x100xi32, #tpu.memory_space<hbm>> -> memref<100xi32, #tpu.memory_space<hbm>>
        tpu.enqueue_dma source(%dma_start3A_210 : memref<100xi32, #tpu.memory_space<hbm>>) target(%arg10 : memref<100xi32, #tpu.memory_space<vmem>>) target_semaphore(%arg23 : memref<!tpu.dma_semaphore, #tpu.memory_space<semaphore_mem>>)
        %add3A_211 = arith.constant 4 : i32
        %add3A_212 = arith.addi %add3A_145, %add3A_211 : i32
        %dma_start3A_213 = arith.constant 0 : i32
        %dma_start3A_214 = tpu.memref_slice %arg7[%add3A_212, %dma_start3A_213] : memref<100x100xi32, #tpu.memory_space<vmem>> -> memref<1x100xi32, #tpu.memory_space<vmem>>
        %dma_start3A_215 = tpu.memref_squeeze %dma_start3A_214 : memref<1x100xi32, #tpu.memory_space<vmem>> -> memref<100xi32, #tpu.memory_space<vmem>>
        %dma_start3A_216 = arith.constant 0 : i32
        %dma_start3A_217 = arith.constant 0 : i32
        %dma_start3A_218 = tpu.memref_slice %arg2[%dma_start3A_216, %dma_start3A_217] : memref<10000x64xf32, #tpu.memory_space<hbm>> -> memref<10000x64xf32, #tpu.memory_space<hbm>>
        tpu.enqueue_indirect_dma source(%dma_start3A_218 : memref<10000x64xf32, #tpu.memory_space<hbm>>) target(%arg14 : memref<100x64xf32, #tpu.memory_space<vmem>>) offsets(%dma_start3A_215 : memref<100xi32, #tpu.memory_space<vmem>>) semaphore(%arg19 : memref<!tpu.dma_semaphore, #tpu.memory_space<semaphore_mem>>)
      } else {
      }
      %mul3A_172 = arith.constant 4 : i32
      %mul3A_173 = arith.muli %scan3A_83, %mul3A_172 : i32
      %add3A_174 = arith.constant 3 : i32
      %add3A_175 = arith.addi %mul3A_173, %add3A_174 : i32
      %dma_wait3A_176 = arith.constant 0 : i32
      %dma_wait3A_177 = tpu.memref_slice %arg7[%add3A_175, %dma_wait3A_176] : memref<100x100xi32, #tpu.memory_space<vmem>> -> memref<1x100xi32, #tpu.memory_space<vmem>>
      %dma_wait3A_178 = tpu.memref_squeeze %dma_wait3A_177 : memref<1x100xi32, #tpu.memory_space<vmem>> -> memref<100xi32, #tpu.memory_space<vmem>>
      %dma_wait3A_179 = arith.constant 0 : i32
      %dma_wait3A_180 = arith.constant 0 : i32
      %dma_wait3A_181 = tpu.memref_slice %arg2[%dma_wait3A_179, %dma_wait3A_180] : memref<10000x64xf32, #tpu.memory_space<hbm>> -> memref<10000x64xf32, #tpu.memory_space<hbm>>
      tpu.wait_indirect_dma semaphore(%arg20 : memref<!tpu.dma_semaphore, #tpu.memory_space<semaphore_mem>>) src(%dma_wait3A_181 : memref<10000x64xf32, #tpu.memory_space<hbm>>) dst(%arg15 : memref<100x64xf32, #tpu.memory_space<vmem>>)
      %add3A_182 = arith.addi %mul3A_8, %add3A_175 : i32
      %dma_wait3A_183 = arith.constant 0 : i32
      %dma_wait3A_184 = tpu.memref_slice %arg4[%add3A_182, %dma_wait3A_183] : memref<3200x100xi32, #tpu.memory_space<hbm>> -> memref<1x100xi32, #tpu.memory_space<hbm>>
      %dma_wait3A_185 = tpu.memref_squeeze %dma_wait3A_184 : memref<1x100xi32, #tpu.memory_space<hbm>> -> memref<100xi32, #tpu.memory_space<hbm>>
      %dma_wait3A_186 = arith.constant 0 : i32
      %dma_wait3A_187 = tpu.memref_slice %arg4[%add3A_182, %dma_wait3A_186] : memref<3200x100xi32, #tpu.memory_space<hbm>> -> memref<1x100xi32, #tpu.memory_space<hbm>>
      %dma_wait3A_188 = tpu.memref_squeeze %dma_wait3A_187 : memref<1x100xi32, #tpu.memory_space<hbm>> -> memref<100xi32, #tpu.memory_space<hbm>>
      tpu.wait_dma2 semaphore(%arg24 : memref<!tpu.dma_semaphore, #tpu.memory_space<semaphore_mem>>) src(%dma_wait3A_188 : memref<100xi32, #tpu.memory_space<hbm>>) dst(%arg11 : memref<100xi32, #tpu.memory_space<vmem>>)
      %dma_start3A_189 = arith.constant 0 : i32
      %dma_start3A_190 = arith.constant 0 : i32
      %dma_start3A_191 = tpu.memref_slice %arg16[%dma_start3A_189, %dma_start3A_190] : memref<10000x64xf32, #tpu.memory_space<vmem_shared>> -> memref<10000x64xf32, #tpu.memory_space<vmem_shared>>
      tpu.enqueue_indirect_dma source(%arg15 : memref<100x64xf32, #tpu.memory_space<vmem>>) target(%dma_start3A_191 : memref<10000x64xf32, #tpu.memory_space<vmem_shared>>) offsets(%arg11 : memref<100xi32, #tpu.memory_space<vmem>>) semaphore(%arg28 : memref<!tpu.dma_semaphore, #tpu.memory_space<semaphore_mem>>) {add = true}
      %dma_wait3A_192 = arith.constant 0 : i32
      %dma_wait3A_193 = arith.constant 0 : i32
      %dma_wait3A_194 = tpu.memref_slice %arg16[%dma_wait3A_192, %dma_wait3A_193] : memref<10000x64xf32, #tpu.memory_space<vmem_shared>> -> memref<10000x64xf32, #tpu.memory_space<vmem_shared>>
      tpu.wait_indirect_dma semaphore(%arg28 : memref<!tpu.dma_semaphore, #tpu.memory_space<semaphore_mem>>) src(%arg15 : memref<100x64xf32, #tpu.memory_space<vmem>>) dst(%dma_wait3A_194 : memref<10000x64xf32, #tpu.memory_space<vmem_shared>>)
      %add3A_195 = arith.constant 4 : i32
      %add3A_196 = arith.addi %add3A_175, %add3A_195 : i32
      %lt3A_197 = arith.constant 100 : i32
      %lt3A_198 = arith.cmpi slt, %add3A_196, %lt3A_197 : i32
      %convert_element_type3A_199 = arith.extui %lt3A_198 : i1 to i32
      %cond3A_200 = arith.constant 0 : i32
      %cond3A_201 = arith.cmpi ne, %convert_element_type3A_199, %cond3A_200 : i32
      scf.if %cond3A_201 {
        %add3A_202 = arith.addi %mul3A_8, %add3A_175 : i32
        %add3A_203 = arith.constant 4 : i32
        %add3A_204 = arith.addi %add3A_202, %add3A_203 : i32
        %dma_start3A_205 = arith.constant 0 : i32
        %dma_start3A_206 = tpu.memref_slice %arg4[%add3A_204, %dma_start3A_205] : memref<3200x100xi32, #tpu.memory_space<hbm>> -> memref<1x100xi32, #tpu.memory_space<hbm>>
        %dma_start3A_207 = tpu.memref_squeeze %dma_start3A_206 : memref<1x100xi32, #tpu.memory_space<hbm>> -> memref<100xi32, #tpu.memory_space<hbm>>
        %dma_start3A_208 = arith.constant 0 : i32
        %dma_start3A_209 = tpu.memref_slice %arg4[%add3A_204, %dma_start3A_208] : memref<3200x100xi32, #tpu.memory_space<hbm>> -> memref<1x100xi32, #tpu.memory_space<hbm>>
        %dma_start3A_210 = tpu.memref_squeeze %dma_start3A_209 : memref<1x100xi32, #tpu.memory_space<hbm>> -> memref<100xi32, #tpu.memory_space<hbm>>
        tpu.enqueue_dma source(%dma_start3A_210 : memref<100xi32, #tpu.memory_space<hbm>>) target(%arg11 : memref<100xi32, #tpu.memory_space<vmem>>) target_semaphore(%arg24 : memref<!tpu.dma_semaphore, #tpu.memory_space<semaphore_mem>>)
        %add3A_211 = arith.constant 4 : i32
        %add3A_212 = arith.addi %add3A_175, %add3A_211 : i32
        %dma_start3A_213 = arith.constant 0 : i32
        %dma_start3A_214 = tpu.memref_slice %arg7[%add3A_212, %dma_start3A_213] : memref<100x100xi32, #tpu.memory_space<vmem>> -> memref<1x100xi32, #tpu.memory_space<vmem>>
        %dma_start3A_215 = tpu.memref_squeeze %dma_start3A_214 : memref<1x100xi32, #tpu.memory_space<vmem>> -> memref<100xi32, #tpu.memory_space<vmem>>
        %dma_start3A_216 = arith.constant 0 : i32
        %dma_start3A_217 = arith.constant 0 : i32
        %dma_start3A_218 = tpu.memref_slice %arg2[%dma_start3A_216, %dma_start3A_217] : memref<10000x64xf32, #tpu.memory_space<hbm>> -> memref<10000x64xf32, #tpu.memory_space<hbm>>
        tpu.enqueue_indirect_dma source(%dma_start3A_218 : memref<10000x64xf32, #tpu.memory_space<hbm>>) target(%arg15 : memref<100x64xf32, #tpu.memory_space<vmem>>) offsets(%dma_start3A_215 : memref<100xi32, #tpu.memory_space<vmem>>) semaphore(%arg20 : memref<!tpu.dma_semaphore, #tpu.memory_space<semaphore_mem>>)
      } else {
      }
    }
    %scan3A_72 = arith.constant 25 : i32
    %barrier3A_73 = arith.constant 0 : index
    tpu.barrier barrier_id(%barrier3A_73)
    %mul3A_74 = arith.constant 624 : i32
    %mul3A_75 = arith.muli %arg1, %mul3A_74 : i32
    %mul3A_76 = arith.constant 624 : i32
    %mul3A_77 = arith.muli %arg1, %mul3A_76 : i32
    "tpu.region"() ({
      %run_scoped3A = tpu.sem_alloc : memref<!tpu.dma_semaphore, #tpu.memory_space<semaphore_mem>>
      %dma_start3A_83 = arith.constant 0 : i32
      %dma_start3A_84 = arith.constant 0 : i32
      %dma_start3A_85 = tpu.memref_slice %arg6[%arg0, %dma_start3A_83, %dma_start3A_84] : memref<2x10000x64xf32, #tpu.memory_space<hbm>> -> memref<1x10000x64xf32, #tpu.memory_space<hbm>>
      %dma_start3A_86 = tpu.memref_squeeze %dma_start3A_85 : memref<1x10000x64xf32, #tpu.memory_space<hbm>> -> memref<10000x64xf32, #tpu.memory_space<hbm>>
      %dma_start3A_87 = arith.constant 0 : i32
      %dma_start3A_88 = tpu.memref_slice %dma_start3A_86[%mul3A_77, %dma_start3A_87] : memref<10000x64xf32, #tpu.memory_space<hbm>> -> memref<624x64xf32, #tpu.memory_space<hbm>>
      %dma_start3A_89 = arith.constant 0 : i32
      %dma_start3A_90 = tpu.memref_slice %arg16[%mul3A_75, %dma_start3A_89] : memref<10000x64xf32, #tpu.memory_space<vmem_shared>> -> memref<624x64xf32, #tpu.memory_space<vmem_shared>>
      tpu.enqueue_dma source(%dma_start3A_90 : memref<624x64xf32, #tpu.memory_space<vmem_shared>>) target(%dma_start3A_88 : memref<624x64xf32, #tpu.memory_space<hbm>>) target_semaphore(%run_scoped3A : memref<!tpu.dma_semaphore, #tpu.memory_space<semaphore_mem>>)
      %dma_wait3A = arith.constant 0 : i32
      %dma_wait3A_91 = arith.constant 0 : i32
      %dma_wait3A_92 = tpu.memref_slice %arg6[%arg0, %dma_wait3A, %dma_wait3A_91] : memref<2x10000x64xf32, #tpu.memory_space<hbm>> -> memref<1x10000x64xf32, #tpu.memory_space<hbm>>
      %dma_wait3A_93 = tpu.memref_squeeze %dma_wait3A_92 : memref<1x10000x64xf32, #tpu.memory_space<hbm>> -> memref<10000x64xf32, #tpu.memory_space<hbm>>
      %dma_wait3A_94 = arith.constant 0 : i32
      %dma_wait3A_95 = tpu.memref_slice %dma_wait3A_93[%mul3A_77, %dma_wait3A_94] : memref<10000x64xf32, #tpu.memory_space<hbm>> -> memref<624x64xf32, #tpu.memory_space<hbm>>
      %dma_wait3A_96 = arith.constant 0 : i32
      %dma_wait3A_97 = tpu.memref_slice %arg16[%mul3A_75, %dma_wait3A_96] : memref<10000x64xf32, #tpu.memory_space<vmem_shared>> -> memref<624x64xf32, #tpu.memory_space<vmem_shared>>
      tpu.wait_dma2 semaphore(%run_scoped3A : memref<!tpu.dma_semaphore, #tpu.memory_space<semaphore_mem>>) src(%dma_wait3A_97 : memref<624x64xf32, #tpu.memory_space<vmem_shared>>) dst(%dma_wait3A_95 : memref<624x64xf32, #tpu.memory_space<hbm>>)
      tpu.yield
    }) : () -> ()
    %eq3A_78 = arith.constant 0 : i32
    %eq3A_79 = arith.cmpi eq, %arg1, %eq3A_78 : i32
    %convert_element_type3A_80 = arith.extui %eq3A_79 : i1 to i32
    %cond3A_81 = arith.constant 0 : i32
    %cond3A_82 = arith.cmpi ne, %convert_element_type3A_80, %cond3A_81 : i32
    scf.if %cond3A_82 {
      "tpu.region"() ({
        %run_scoped3A = tpu.sem_alloc : memref<!tpu.dma_semaphore, #tpu.memory_space<semaphore_mem>>
        %dma_start3A_83 = arith.constant 0 : i32
        %dma_start3A_84 = arith.constant 0 : i32
        %dma_start3A_85 = tpu.memref_slice %arg6[%arg0, %dma_start3A_83, %dma_start3A_84] : memref<2x10000x64xf32, #tpu.memory_space<hbm>> -> memref<1x10000x64xf32, #tpu.memory_space<hbm>>
        %dma_start3A_86 = tpu.memref_squeeze %dma_start3A_85 : memref<1x10000x64xf32, #tpu.memory_space<hbm>> -> memref<10000x64xf32, #tpu.memory_space<hbm>>
        %dma_start3A_87 = arith.constant 9984 : i32
        %dma_start3A_88 = arith.constant 0 : i32
        %dma_start3A_89 = tpu.memref_slice %dma_start3A_86[%dma_start3A_87, %dma_start3A_88] : memref<10000x64xf32, #tpu.memory_space<hbm>> -> memref<16x64xf32, #tpu.memory_space<hbm>>
        %dma_start3A_90 = arith.constant 9984 : i32
        %dma_start3A_91 = arith.constant 0 : i32
        %dma_start3A_92 = tpu.memref_slice %arg16[%dma_start3A_90, %dma_start3A_91] : memref<10000x64xf32, #tpu.memory_space<vmem_shared>> -> memref<16x64xf32, #tpu.memory_space<vmem_shared>>
        tpu.enqueue_dma source(%dma_start3A_92 : memref<16x64xf32, #tpu.memory_space<vmem_shared>>) target(%dma_start3A_89 : memref<16x64xf32, #tpu.memory_space<hbm>>) target_semaphore(%run_scoped3A : memref<!tpu.dma_semaphore, #tpu.memory_space<semaphore_mem>>)
        %dma_wait3A = arith.constant 0 : i32
        %dma_wait3A_93 = arith.constant 0 : i32
        %dma_wait3A_94 = tpu.memref_slice %arg6[%arg0, %dma_wait3A, %dma_wait3A_93] : memref<2x10000x64xf32, #tpu.memory_space<hbm>> -> memref<1x10000x64xf32, #tpu.memory_space<hbm>>
        %dma_wait3A_95 = tpu.memref_squeeze %dma_wait3A_94 : memref<1x10000x64xf32, #tpu.memory_space<hbm>> -> memref<10000x64xf32, #tpu.memory_space<hbm>>
        %dma_wait3A_96 = arith.constant 9984 : i32
        %dma_wait3A_97 = arith.constant 0 : i32
        %dma_wait3A_98 = tpu.memref_slice %dma_wait3A_95[%dma_wait3A_96, %dma_wait3A_97] : memref<10000x64xf32, #tpu.memory_space<hbm>> -> memref<16x64xf32, #tpu.memory_space<hbm>>
        %dma_wait3A_99 = arith.constant 9984 : i32
        %dma_wait3A_100 = arith.constant 0 : i32
        %dma_wait3A_101 = tpu.memref_slice %arg16[%dma_wait3A_99, %dma_wait3A_100] : memref<10000x64xf32, #tpu.memory_space<vmem_shared>> -> memref<16x64xf32, #tpu.memory_space<vmem_shared>>
        tpu.wait_dma2 semaphore(%run_scoped3A : memref<!tpu.dma_semaphore, #tpu.memory_space<semaphore_mem>>) src(%dma_wait3A_101 : memref<16x64xf32, #tpu.memory_space<vmem_shared>>) dst(%dma_wait3A_98 : memref<16x64xf32, #tpu.memory_space<hbm>>)
        tpu.yield
      }) : () -> ()
    } else {
    }
    return
  }
}

module attributes {stable_mosaic.version = 14 : i64} {
  func.func @_tc1_body(%arg0: i32, %arg1: memref<2x1000x1xf32, #tpu.memory_space<vmem>>, %arg2: memref<1000x128xf32, #tpu.memory_space<vmem>>, %arg3: memref<128x128xf32, #tpu.memory_space<vmem>>, %arg4: memref<1000x128xf32, #tpu.memory_space<vmem>>, %arg5: memref<1000x1xf32, #tpu.memory_space<vmem>>) attributes {dimension_semantics = [#tpu.dimension_semantics<arbitrary>], iteration_bounds = array<i64: 10>, scalar_prefetch = 0 : i64, scratch_operands = 0 : i64, tpu.core_type = #tpu.core_type<tc>, window_params = [{transform_indices = @transform_0, window_bounds = array<i64: 2, 1000, 1>}, {transform_indices = @transform_1, window_bounds = array<i64: 1000, 128>}, {pipeline_mode = #tpu.pipeline_mode<synchronous>, transform_indices = @transform_2, window_bounds = array<i64: 128, 128>}, {transform_indices = @transform_3, window_bounds = array<i64: 1000, 128>}, {transform_indices = @transform_4, window_bounds = array<i64: 1000, 1>}]} {
    %get3A = arith.constant 0 : index
    %get3A_0 = arith.constant 0 : index
    %get3A_1 = arith.constant 0 : index
    %get3A_2 = vector.load %arg1[%get3A, %get3A_0, %get3A_1] : memref<2x1000x1xf32, #tpu.memory_space<vmem>>, vector<1x1000x1xf32>
    %get3A_3 = vector.shape_cast %get3A_2 : vector<1x1000x1xf32> to vector<1000xf32>
    %get3A_4 = arith.constant 1 : index
    %get3A_5 = arith.constant 0 : index
    %get3A_6 = arith.constant 0 : index
    %get3A_7 = vector.load %arg1[%get3A_4, %get3A_5, %get3A_6] : memref<2x1000x1xf32, #tpu.memory_space<vmem>>, vector<1x1000x1xf32>
    %get3A_8 = vector.shape_cast %get3A_7 : vector<1x1000x1xf32> to vector<1000xf32>
    %add3A = arith.addf %get3A_3, %get3A_8 : vector<1000xf32>
    %add3A_9 = arith.constant 1.000000e+00 : f32
    %add3A_10 = vector.broadcast %add3A_9 : f32 to vector<1000xf32>
    %add3A_11 = arith.addf %add3A, %add3A_10 : vector<1000xf32>
    %rsqrt3A = math.rsqrt %add3A_11 : vector<1000xf32>
    %broadcast_in_dim3A = vector.shape_cast %rsqrt3A : vector<1000xf32> to vector<1000x1xf32>
    %get3A_12 = arith.constant 0 : index
    %get3A_13 = arith.constant 0 : index
    %get3A_14 = vector.load %arg2[%get3A_12, %get3A_13] : memref<1000x128xf32, #tpu.memory_space<vmem>>, vector<1000x128xf32>
    %get3A_15 = arith.constant 0 : index
    %get3A_16 = arith.constant 0 : index
    %get3A_17 = vector.load %arg3[%get3A_15, %get3A_16] : memref<128x128xf32, #tpu.memory_space<vmem>>, vector<128x128xf32>
    %dot_general3A = arith.constant dense<0.000000e+00> : vector<1000x128xf32>
    %dot_general3A_18 = tpu.matmul %get3A_14, %get3A_17, %dot_general3A {dimension_numbers = #tpu.dot_dimension_numbers<[1], [0], [0], [1], [0, 0, 1, 1], [], []>, transpose_lhs_hint = false} : vector<1000x128xf32>, vector<128x128xf32>, vector<1000x128xf32> -> vector<1000x128xf32>
    %mul3A = vector.broadcast %broadcast_in_dim3A : vector<1000x1xf32> to vector<1000x128xf32>
    %mul3A_19 = arith.mulf %dot_general3A_18, %mul3A : vector<1000x128xf32>
    %swap3A = arith.constant 0 : index
    %swap3A_20 = arith.constant 0 : index
    %swap3A_21 = vector.load %arg4[%swap3A, %swap3A_20] : memref<1000x128xf32, #tpu.memory_space<vmem>>, vector<1000x128xf32>
    tpu.vector_store %arg4[%swap3A, %swap3A_20], %mul3A_19 {strides = array<i32>} : memref<1000x128xf32, #tpu.memory_space<vmem>>, vector<1000x128xf32>,
    %swap3A_22 = arith.constant 0 : index
    %swap3A_23 = arith.constant 0 : index
    %swap3A_24 = vector.load %arg5[%swap3A_22, %swap3A_23] : memref<1000x1xf32, #tpu.memory_space<vmem>>, vector<1000x1xf32>
    tpu.vector_store %arg5[%swap3A_22, %swap3A_23], %broadcast_in_dim3A {strides = array<i32>} : memref<1000x1xf32, #tpu.memory_space<vmem>>, vector<1000x1xf32>,
    return
  }
  func.func @transform_0(%arg0: i32) -> (i32, i32, i32) {
    %c0_i32 = arith.constant 0 : i32
    %c0_i32_0 = arith.constant 0 : i32
    %c0_i32_1 = arith.constant 0 : i32
    return %c0_i32, %arg0, %c0_i32_0 : i32, i32, i32
  }
  func.func @transform_1(%arg0: i32) -> (i32, i32) {
    %c0_i32 = arith.constant 0 : i32
    %c0_i32_0 = arith.constant 0 : i32
    return %arg0, %c0_i32 : i32, i32
  }
  func.func @transform_2(%arg0: i32) -> (i32, i32) {
    %c0_i32 = arith.constant 0 : i32
    %c0_i32_0 = arith.constant 0 : i32
    %c0_i32_1 = arith.constant 0 : i32
    return %c0_i32, %c0_i32_0 : i32, i32
  }
  func.func @transform_3(%arg0: i32) -> (i32, i32) {
    %c0_i32 = arith.constant 0 : i32
    %c0_i32_0 = arith.constant 0 : i32
    return %arg0, %c0_i32 : i32, i32
  }
  func.func @transform_4(%arg0: i32) -> (i32, i32) {
    %c0_i32 = arith.constant 0 : i32
    %c0_i32_0 = arith.constant 0 : i32
    return %arg0, %c0_i32 : i32, i32
  }
}

module attributes {stable_mosaic.version = 14 : i64} {
  func.func @_tc2_body(%arg0: i32, %arg1: memref<2x1000x128xf32, #tpu.memory_space<vmem>>, %arg2: memref<1000x128xf32, #tpu.memory_space<vmem>>, %arg3: memref<1000x1xf32, #tpu.memory_space<vmem>>, %arg4: memref<1x128xf32, #tpu.memory_space<vmem>>, %arg5: memref<128x64xf32, #tpu.memory_space<vmem>>, %arg6: memref<1000x64xf32, #tpu.memory_space<vmem>>) attributes {dimension_semantics = [#tpu.dimension_semantics<arbitrary>], iteration_bounds = array<i64: 10>, scalar_prefetch = 0 : i64, scratch_operands = 0 : i64, tpu.core_type = #tpu.core_type<tc>, window_params = [{transform_indices = @transform_0, window_bounds = array<i64: 2, 1000, 128>}, {transform_indices = @transform_1, window_bounds = array<i64: 1000, 128>}, {transform_indices = @transform_2, window_bounds = array<i64: 1000, 1>}, {pipeline_mode = #tpu.pipeline_mode<synchronous>, transform_indices = @transform_3, window_bounds = array<i64: 1, 128>}, {pipeline_mode = #tpu.pipeline_mode<synchronous>, transform_indices = @transform_4, window_bounds = array<i64: 128, 64>}, {transform_indices = @transform_5, window_bounds = array<i64: 1000, 64>}]} {
    %get3A = arith.constant 0 : index
    %get3A_0 = arith.constant 0 : index
    %get3A_1 = arith.constant 0 : index
    %get3A_2 = vector.load %arg1[%get3A, %get3A_0, %get3A_1] : memref<2x1000x128xf32, #tpu.memory_space<vmem>>, vector<1x1000x128xf32>
    %get3A_3 = vector.shape_cast %get3A_2 : vector<1x1000x128xf32> to vector<1000x128xf32>
    %get3A_4 = arith.constant 1 : index
    %get3A_5 = arith.constant 0 : index
    %get3A_6 = arith.constant 0 : index
    %get3A_7 = vector.load %arg1[%get3A_4, %get3A_5, %get3A_6] : memref<2x1000x128xf32, #tpu.memory_space<vmem>>, vector<1x1000x128xf32>
    %get3A_8 = vector.shape_cast %get3A_7 : vector<1x1000x128xf32> to vector<1000x128xf32>
    %add3A = arith.addf %get3A_3, %get3A_8 : vector<1000x128xf32>
    %get3A_9 = arith.constant 0 : index
    %get3A_10 = arith.constant 0 : index
    %get3A_11 = vector.load %arg2[%get3A_9, %get3A_10] : memref<1000x128xf32, #tpu.memory_space<vmem>>, vector<1000x128xf32>
    %add3A_12 = arith.addf %add3A, %get3A_11 : vector<1000x128xf32>
    %get3A_13 = arith.constant 0 : index
    %get3A_14 = arith.constant 0 : index
    %get3A_15 = vector.load %arg3[%get3A_13, %get3A_14] : memref<1000x1xf32, #tpu.memory_space<vmem>>, vector<1000x1xf32>
    %mul3A = vector.broadcast %get3A_15 : vector<1000x1xf32> to vector<1000x128xf32>
    %mul3A_16 = arith.mulf %add3A_12, %mul3A : vector<1000x128xf32>
    %get3A_17 = arith.constant 0 : index
    %get3A_18 = arith.constant 0 : index
    %get3A_19 = vector.load %arg4[%get3A_17, %get3A_18] : memref<1x128xf32, #tpu.memory_space<vmem>>, vector<1x128xf32>
    %add3A_20 = vector.broadcast %get3A_19 : vector<1x128xf32> to vector<1000x128xf32>
    %add3A_21 = arith.addf %mul3A_16, %add3A_20 : vector<1000x128xf32>
    %max3A = arith.constant 0.000000e+00 : f32
    %max3A_22 = vector.broadcast %max3A : f32 to vector<1000x128xf32>
    %max3A_23 = arith.maximumf %add3A_21, %max3A_22 : vector<1000x128xf32>
    %get3A_24 = arith.constant 0 : index
    %get3A_25 = arith.constant 0 : index
    %get3A_26 = vector.load %arg5[%get3A_24, %get3A_25] : memref<128x64xf32, #tpu.memory_space<vmem>>, vector<128x64xf32>
    %dot_general3A = arith.constant dense<0.000000e+00> : vector<1000x64xf32>
    %dot_general3A_27 = tpu.matmul %max3A_23, %get3A_26, %dot_general3A {dimension_numbers = #tpu.dot_dimension_numbers<[1], [0], [0], [1], [0, 0, 1, 1], [], []>, transpose_lhs_hint = false} : vector<1000x128xf32>, vector<128x64xf32>, vector<1000x64xf32> -> vector<1000x64xf32>
    %get3A_28 = arith.constant 0 : index
    %get3A_29 = arith.constant 0 : index
    %get3A_30 = vector.load %arg3[%get3A_28, %get3A_29] : memref<1000x1xf32, #tpu.memory_space<vmem>>, vector<1000x1xf32>
    %mul3A_31 = vector.broadcast %get3A_30 : vector<1000x1xf32> to vector<1000x64xf32>
    %mul3A_32 = arith.mulf %dot_general3A_27, %mul3A_31 : vector<1000x64xf32>
    %swap3A = arith.constant 0 : index
    %swap3A_33 = arith.constant 0 : index
    %swap3A_34 = vector.load %arg6[%swap3A, %swap3A_33] : memref<1000x64xf32, #tpu.memory_space<vmem>>, vector<1000x64xf32>
    tpu.vector_store %arg6[%swap3A, %swap3A_33], %mul3A_32 {strides = array<i32>} : memref<1000x64xf32, #tpu.memory_space<vmem>>, vector<1000x64xf32>,
    return
  }
  func.func @transform_0(%arg0: i32) -> (i32, i32, i32) {
    %c0_i32 = arith.constant 0 : i32
    %c0_i32_0 = arith.constant 0 : i32
    %c0_i32_1 = arith.constant 0 : i32
    return %c0_i32, %arg0, %c0_i32_0 : i32, i32, i32
  }
  func.func @transform_1(%arg0: i32) -> (i32, i32) {
    %c0_i32 = arith.constant 0 : i32
    %c0_i32_0 = arith.constant 0 : i32
    return %arg0, %c0_i32 : i32, i32
  }
  func.func @transform_2(%arg0: i32) -> (i32, i32) {
    %c0_i32 = arith.constant 0 : i32
    %c0_i32_0 = arith.constant 0 : i32
    return %arg0, %c0_i32 : i32, i32
  }
  func.func @transform_3(%arg0: i32) -> (i32, i32) {
    %c0_i32 = arith.constant 0 : i32
    %c0_i32_0 = arith.constant 0 : i32
    %c0_i32_1 = arith.constant 0 : i32
    return %c0_i32, %c0_i32_0 : i32, i32
  }
  func.func @transform_4(%arg0: i32) -> (i32, i32) {
    %c0_i32 = arith.constant 0 : i32
    %c0_i32_0 = arith.constant 0 : i32
    %c0_i32_1 = arith.constant 0 : i32
    return %c0_i32, %c0_i32_0 : i32, i32
  }
  func.func @transform_5(%arg0: i32) -> (i32, i32) {
    %c0_i32 = arith.constant 0 : i32
    %c0_i32_0 = arith.constant 0 : i32
    return %arg0, %c0_i32 : i32, i32
  }
}

module attributes {stable_mosaic.version = 14 : i64} {
  func.func @_tc3_body(%arg0: i32, %arg1: memref<2x1000x64xf32, #tpu.memory_space<vmem>>, %arg2: memref<1000x64xf32, #tpu.memory_space<vmem>>, %arg3: memref<1000x1xf32, #tpu.memory_space<vmem>>, %arg4: memref<1x64xf32, #tpu.memory_space<vmem>>, %arg5: memref<1000x64xf32, #tpu.memory_space<vmem>>) attributes {dimension_semantics = [#tpu.dimension_semantics<arbitrary>], iteration_bounds = array<i64: 10>, scalar_prefetch = 0 : i64, scratch_operands = 0 : i64, tpu.core_type = #tpu.core_type<tc>, window_params = [{transform_indices = @transform_0, window_bounds = array<i64: 2, 1000, 64>}, {transform_indices = @transform_1, window_bounds = array<i64: 1000, 64>}, {transform_indices = @transform_2, window_bounds = array<i64: 1000, 1>}, {pipeline_mode = #tpu.pipeline_mode<synchronous>, transform_indices = @transform_3, window_bounds = array<i64: 1, 64>}, {transform_indices = @transform_4, window_bounds = array<i64: 1000, 64>}]} {
    %get3A = arith.constant 0 : index
    %get3A_0 = arith.constant 0 : index
    %get3A_1 = arith.constant 0 : index
    %get3A_2 = vector.load %arg1[%get3A, %get3A_0, %get3A_1] : memref<2x1000x64xf32, #tpu.memory_space<vmem>>, vector<1x1000x64xf32>
    %get3A_3 = vector.shape_cast %get3A_2 : vector<1x1000x64xf32> to vector<1000x64xf32>
    %get3A_4 = arith.constant 1 : index
    %get3A_5 = arith.constant 0 : index
    %get3A_6 = arith.constant 0 : index
    %get3A_7 = vector.load %arg1[%get3A_4, %get3A_5, %get3A_6] : memref<2x1000x64xf32, #tpu.memory_space<vmem>>, vector<1x1000x64xf32>
    %get3A_8 = vector.shape_cast %get3A_7 : vector<1x1000x64xf32> to vector<1000x64xf32>
    %add3A = arith.addf %get3A_3, %get3A_8 : vector<1000x64xf32>
    %get3A_9 = arith.constant 0 : index
    %get3A_10 = arith.constant 0 : index
    %get3A_11 = vector.load %arg2[%get3A_9, %get3A_10] : memref<1000x64xf32, #tpu.memory_space<vmem>>, vector<1000x64xf32>
    %add3A_12 = arith.addf %add3A, %get3A_11 : vector<1000x64xf32>
    %get3A_13 = arith.constant 0 : index
    %get3A_14 = arith.constant 0 : index
    %get3A_15 = vector.load %arg3[%get3A_13, %get3A_14] : memref<1000x1xf32, #tpu.memory_space<vmem>>, vector<1000x1xf32>
    %mul3A = vector.broadcast %get3A_15 : vector<1000x1xf32> to vector<1000x64xf32>
    %mul3A_16 = arith.mulf %add3A_12, %mul3A : vector<1000x64xf32>
    %get3A_17 = arith.constant 0 : index
    %get3A_18 = arith.constant 0 : index
    %get3A_19 = vector.load %arg4[%get3A_17, %get3A_18] : memref<1x64xf32, #tpu.memory_space<vmem>>, vector<1x64xf32>
    %add3A_20 = vector.broadcast %get3A_19 : vector<1x64xf32> to vector<1000x64xf32>
    %add3A_21 = arith.addf %mul3A_16, %add3A_20 : vector<1000x64xf32>
    %reduce_max3A = arith.constant dense<0xFF800000> : vector<1000xf32>
    %reduce_max3A_22 = vector.multi_reduction <maximumf>, %add3A_21, %reduce_max3A [1] : vector<1000x64xf32> to vector<1000xf32>
    %broadcast_in_dim3A = vector.shape_cast %reduce_max3A_22 : vector<1000xf32> to vector<1000x1xf32>
    %sub3A = vector.broadcast %broadcast_in_dim3A : vector<1000x1xf32> to vector<1000x64xf32>
    %sub3A_23 = arith.subf %add3A_21, %sub3A : vector<1000x64xf32>
    %exp3A = math.exp %sub3A_23 : vector<1000x64xf32>
    %reduce_sum3A = arith.constant dense<0.000000e+00> : vector<1000xf32>
    %reduce_sum3A_24 = vector.multi_reduction <add>, %exp3A, %reduce_sum3A [1] : vector<1000x64xf32> to vector<1000xf32>
    %broadcast_in_dim3A_25 = vector.shape_cast %reduce_sum3A_24 : vector<1000xf32> to vector<1000x1xf32>
    %log3A = math.log %broadcast_in_dim3A_25 : vector<1000x1xf32>
    %add3A_26 = arith.addf %log3A, %broadcast_in_dim3A : vector<1000x1xf32>
    %sub3A_27 = vector.broadcast %add3A_26 : vector<1000x1xf32> to vector<1000x64xf32>
    %sub3A_28 = arith.subf %add3A_21, %sub3A_27 : vector<1000x64xf32>
    %swap3A = arith.constant 0 : index
    %swap3A_29 = arith.constant 0 : index
    %swap3A_30 = vector.load %arg5[%swap3A, %swap3A_29] : memref<1000x64xf32, #tpu.memory_space<vmem>>, vector<1000x64xf32>
    tpu.vector_store %arg5[%swap3A, %swap3A_29], %sub3A_28 {strides = array<i32>} : memref<1000x64xf32, #tpu.memory_space<vmem>>, vector<1000x64xf32>,
    return
  }
  func.func @transform_0(%arg0: i32) -> (i32, i32, i32) {
    %c0_i32 = arith.constant 0 : i32
    %c0_i32_0 = arith.constant 0 : i32
    %c0_i32_1 = arith.constant 0 : i32
    return %c0_i32, %arg0, %c0_i32_0 : i32, i32, i32
  }
  func.func @transform_1(%arg0: i32) -> (i32, i32) {
    %c0_i32 = arith.constant 0 : i32
    %c0_i32_0 = arith.constant 0 : i32
    return %arg0, %c0_i32 : i32, i32
  }
  func.func @transform_2(%arg0: i32) -> (i32, i32) {
    %c0_i32 = arith.constant 0 : i32
    %c0_i32_0 = arith.constant 0 : i32
    return %arg0, %c0_i32 : i32, i32
  }
  func.func @transform_3(%arg0: i32) -> (i32, i32) {
    %c0_i32 = arith.constant 0 : i32
    %c0_i32_0 = arith.constant 0 : i32
    %c0_i32_1 = arith.constant 0 : i32
    return %c0_i32, %c0_i32_0 : i32, i32
  }
  func.func @transform_4(%arg0: i32) -> (i32, i32) {
    %c0_i32 = arith.constant 0 : i32
    %c0_i32_0 = arith.constant 0 : i32
    return %arg0, %c0_i32 : i32, i32
  }
}

</mosaic_0001>

<sc_bundles>
// kernel: kernel.11.cloned.1.call-start
scs
__scs_entry_jumppad:
0x0: {  	(pc) =	sbr.rel $0x88, $3  }
0x1: {  	(tag) =	ssettag $0x0;
	lr =	simm.s32 $0x1  }
0x2: {  	[smem:$0x3F9B] =	sst lr;
	_ =	strace $0xD0000000  }
0x3: {  	_ = 	snop  }
0x4: {  	_ = 	snop  }
0x5: {  	_ = 	snop  }
0x6: {  	_ = 	snop  }
0x7: {  	_ = 	snop  }
__scs_overlays_trampoline_lowered:
0x8: {  	[smem:$0x3FAA] =	sst s0  }
0x9: {  	[smem:$0x3FAB] =	sst s1  }
0xa: {  	[smem:$0x3FAC] =	sst s2  }
0xb: {  	[smem:$0x3FAD] =	sst s3  }
0xc: {  	[smem:$0x3FAE] =	sst s4  }
0xd: {  	[smem:$0x3FAF] =	sst s5  }
0xe: {  	[smem:$0x3FB0] =	sst s6  }
0xf: {  	[smem:$0x3FB1] =	sst s7  }
0x10: {  	[smem:$0x3FB2] =	sst s8  }
0x11: {  	[smem:$0x3FB3] =	sst s9;
	s0 =	simm.s32 @!p0 $0x0  }
0x12: {  	s1 =	sld [smem:$0x3F99];
	s0 =	simm.s32 @p0 $0x1  }
0x13: {  	[smem:$0x3FB4] =	sst s0;
	s0 =	simm.s32 @!p1 $0x0  }
0x14: {  	s2 =	sld [smem:$0x3F98];
	s0 =	simm.s32 @p1 $0x1  }
0x15: {  	[smem:$0x3FB5] =	sst s0;
	s0 =	simm.s32 @!p2 $0x0  }
0x16: {  	s3 =	sld [smem:$0x3FDB];
	s0 =	simm.s32 @p2 $0x1  }
0x17: {  	s4 =	simm.s32 $0x1BF5;
	[smem:$0x3FB7] =	sst s0  }
0x18: {  	s0 =	sld [smem:$0x3F9A];
	_ =	swait.ge [sflag:s4], $0x0  }
0x19: {  	s7 =	sld [smem:$0x3F9B]  }
0x1a: {  	s8 =	sadd.s32 $0xFFFFE003, lr  }
0x1b: {  	s9 =	sadd.s32 $0xFFFFFEF7, lr;
	s5 =	simm.s32 $0xFFFFFFFF;
	p2 =	slt.u32 s8, $0xFFFFF086  }
0x1c: {  	p1 =	slt.u32 s9, $0xF7A;
	s5 =	simm.s32 @!p2 $0x0  }
0x1d: {  	s5 =	simm.s32 @p1 $0x1;
	p0 =	seq.s32 s7, s2  }
0x1e: {  	s7 =	smul.u32 @!p0 $0xF7A, s2;
	p2 =	seq.s32 @!p0 s5, $0x0  }
0x1f: {  	s9 =	smul.u32 $0xF7A, s1;
	s8 =	simm.s32 @!p0 $0x1BF5;
	p2 =	por !p2, p0  }
0x20: {  	[sflag:s8] =	ssyncset.s32 @!p0 $0xFFFFF086;
	s6 =	sadd.s32 @!p0 s3, s7;
	s7 =	simm.s32 @!p0 $0x108  }
0x21: {  	s3 =	sadd.s32 s3, s9;
	s6 =	sadd.s32 @!p0 $0x88, s6;
	s7 =	simm.s32 @p2 $0x1082  }
0x22: {  	[simem:s7], [sflag:s8] =	dma.local @!p0 [hbm:s6], $0xF7A  }
0x23: {  	s9 =	sor.u32 $0xD0000000, s2;
	s6 =	simm.s32 $0x108;
	_ =	swait.ge @!p0 [sflag:s8], $0x0  }
0x24: {  	s3 =	sadd.s32 $0x88, s3;
	s6 =	simm.s32 @!p1 $0x1082;
	[sflag:s4] =	ssyncset.s32 $0xFFFFF086  }
0x25: {  	[simem:s6], [sflag:s4] =	dma.local [hbm:s3], $0xF7A  }
0x26: {  	[smem:$0x3F9B] =	sst s1;
	(tag) =	ssettag s2;
	_ =	strace s9  }
0x27: {  	s1 =	sld [smem:$0x3FAB]  }
0x28: {  	s2 =	sld [smem:$0x3FAC]  }
0x29: {  	s4 =	sld [smem:$0x3FAE]  }
0x2a: {  	p0 =	seq.s32 s5, $0x0;
	s5 =	sld [smem:$0x3FAF]  }
0x2b: {  	s6 =	sld [smem:$0x3FB0]  }
0x2c: {  	s7 =	sld [smem:$0x3FB1]  }
0x2d: {  	s3 =	simm.s32 $0x108;
	s8 =	sld [smem:$0x3FB2]  }
0x2e: {  	s3 =	simm.s32 @!p0 $0x1082;
	s9 =	sld [smem:$0x3FB3]  }
0x2f: {  	lr =	sadd.s32 s0, s3;
	s0 =	sld [smem:$0x3FAA]  }
0x30: {  	s3 =	sld [smem:$0x3FAD]  }
0x31: {  	[smem:$0x3FB6] =	sst s10  }
0x32: {  	s10 =	sld [smem:$0x3FB4];
	_ =	sdelay $0x3  }
0x33: {  	p0 =	seq.s32 s10, $0x1;
	s10 =	sld [smem:$0x3FB6];
	_ =	sdelay $0x3  }
0x34: {  	[smem:$0x3FB6] =	sst s10  }
0x35: {  	s10 =	sld [smem:$0x3FB5];
	_ =	sdelay $0x3  }
0x36: {  	p1 =	seq.s32 s10, $0x1;
	s10 =	sld [smem:$0x3FB6];
	_ =	sdelay $0x3  }
0x37: {  	[smem:$0x3FB6] =	sst s10  }
0x38: {  	s10 =	sld [smem:$0x3FB7]  }
0x39: {  	_ = 	snop;
	(pc) =	sbr.ind lr, $3  }
0x3a: {  	_ = 	snop  }
0x3b: {  	_ = 	snop  }
0x3c: {  	p2 =	seq.s32 s10, $0x1;
	s10 =	sld [smem:$0x3FB6]  }
0x3d: {  	_ =	shalt  }
0x3e: {  	_ =	shalt  }
0x3f: {  	_ =	shalt  }
0x40: {  	_ =	shalt  }
0x41: {  	_ =	shalt  }
0x42: {  	_ =	shalt  }
0x43: {  	_ =	shalt  }
0x44: {  	_ =	shalt  }
0x45: {  	_ =	shalt  }
0x46: {  	_ =	shalt  }
0x47: {  	_ =	shalt  }
0x48: {  	_ =	shalt  }
0x49: {  	_ =	shalt  }
0x4a: {  	_ =	shalt  }
0x4b: {  	_ =	shalt  }
0x4c: {  	_ =	shalt  }
0x4d: {  	_ =	shalt  }
0x4e: {  	_ =	shalt  }
0x4f: {  	_ =	shalt  }
0x50: {  	_ =	shalt  }
0x51: {  	_ =	shalt  }
0x52: {  	_ =	shalt  }
0x53: {  	_ =	shalt  }
0x54: {  	_ =	shalt  }
0x55: {  	_ =	shalt  }
0x56: {  	_ =	shalt  }
0x57: {  	_ =	shalt  }
0x58: {  	_ =	shalt  }
0x59: {  	_ =	shalt  }
0x5a: {  	_ =	shalt  }
0x5b: {  	_ =	shalt  }
0x5c: {  	_ =	shalt  }
0x5d: {  	_ =	shalt  }
0x5e: {  	_ =	shalt  }
0x5f: {  	_ =	shalt  }
0x60: {  	_ =	shalt  }
0x61: {  	_ =	shalt  }
0x62: {  	_ =	shalt  }
0x63: {  	_ =	shalt  }
0x64: {  	_ =	shalt  }
0x65: {  	_ =	shalt  }
0x66: {  	_ =	shalt  }
0x67: {  	_ =	shalt  }
0x68: {  	_ =	shalt  }
0x69: {  	_ =	shalt  }
0x6a: {  	_ =	shalt  }
0x6b: {  	_ =	shalt  }
0x6c: {  	_ =	shalt  }
0x6d: {  	_ =	shalt  }
0x6e: {  	_ =	shalt  }
0x6f: {  	_ =	shalt  }
0x70: {  	_ =	shalt  }
0x71: {  	_ =	shalt  }
0x72: {  	_ =	shalt  }
0x73: {  	_ =	shalt  }
0x74: {  	_ =	shalt  }
0x75: {  	_ =	shalt  }
0x76: {  	_ =	shalt  }
0x77: {  	_ =	shalt  }
0x78: {  	_ =	shalt  }
0x79: {  	_ =	shalt  }
0x7a: {  	_ =	shalt  }
0x7b: {  	_ =	shalt  }
0x7c: {  	_ =	shalt  }
0x7d: {  	_ =	shalt  }
0x7e: {  	_ =	shalt  }
0x7f: {  	_ =	shalt  }
0x80: {  	_ =	shalt  }
0x81: {  	_ =	shalt  }
0x82: {  	_ =	shalt  }
0x83: {  	_ =	shalt  }
0x84: {  	_ =	shalt  }
0x85: {  	_ =	shalt  }
0x86: {  	_ =	shalt  }
0x87: {  	_ =	shalt  }
.Lfunc_end0:
.L_simem_size_0:
called_computation.1_lowered:
.L_overlay_start_0:
0x88: {  	s2 =	sld [smem:$0x3FD9]  }
0x89: {  	s3 =	sld [smem:$0x3FFE];
	_ =	sdelay $0x1  }
0x8a: {  	s1 =	srdreg.scid  }
0x8b: {  	s0 =	sand.u32 $0x1, s1  }
0x8c: {  	s16 =	sshll.u32 s0, $0xA;
	s2 =	sadd.s32 s3, s2  }
0x8d: {  	s2 =	sadd.s32 s2, s16  }
0x8e: {  	[smem:$0x3FC2] =	sst s2  }
0x8f: {  	_ = 	snop  }
0x90: {  	(tm) =	ssettm $0x1  }
0x91: {  	s17 =	sld [smem:$0x3FFB];
	_ =	sdelay $0x3  }
0x92: {  	_ =	strace s17  }
0x93: {  	s2 =	sld [smem:$0x3FFC];
	_ =	sdelay $0x3  }
0x94: {  	_ =	strace s2  }
0x95: {  	s2 =	sld [smem:$0x3FFD];
	_ =	sdelay $0x3  }
0x96: {  	_ =	strace s2  }
0x97: {  	_ =	strace $0x8FFFFFFF  }
0x98: {  	s18 =	sld [smem:$0x3FDB];
	_ =	sdelay $0x1  }
0x99: {  	s19 =	simm.s32 $_scs_section_size  }
0x9a: {  	s4 =	simm.s32 $_size__tile_overlayer_lowered;
	s5 =	simm.s32 $_tile_overlayer_lowered  }
0x9b: {  	s22 =	simm.s32 $0x1BFF;
	s21 =	sshll.u32 s5, $0x1;
	s2 =	sadd.s32 s19, s18  }
0x9c: {  	s6 =	simm.s32 $0x0;
	s20 =	sshll.u32 s4, $0x1;
	s4 =	sadd.s32 s21, s2  }
0x9d: {  	[timem:s6], [sflag:s22] =	dma.local [hbm:s4], s20  }
0x9e: {  	_ =	swait.ge [sflag:s22], s20  }
0x9f: {  	s3 =	ssub.s32 $0x0, s20;
	[sflag:s22] =	ssyncset.done $0x0  }
0xa0: {  	[sflag:s22] =	ssyncadd.s32 s3;
	_ =	sdelay $0x1  }
0xa1: {  	s23 =	simm.s32 $0x1B8B  }
0xa2: {  	_ =	swait.ge [sflag:s23], $0x1  }
0xa3: {  	[sflag:s23] =	ssyncset.done $0x0  }
0xa4: {  	s25 =	simm.s32 $0x1B8E;
	s24 =	sld [smem:$0x3FFE];
	[sflag:s23] =	ssyncadd.s32 $0xFFFFFFFF  }
0xa5: {  	s26 =	simm.s32 $execute0_lowered;
	[smem:$0x3FD2] =	sst s25  }
0xa6: {  	s4 =	sshll.u32 s26, $0x1;
	_ =	strace $0x80000049;
	[dreg:$0x1] =	wrdreg $0xFFFFFFFF  }
0xa7: {  	s28 =	simm.s32 $_size_execute0_lowered;
	s2 =	sadd.s32 s2, s4;
	[dreg:$0x0] =	wrdreg $0x0  }
0xa8: {  	s4 =	sshll.u32 s28, $0x1;
	[dreg:$0x2] =	wrdreg s2  }
0xa9: {  	[dreg:$0x3] =	wrdreg s4  }
0xaa: {  	[dreg:$0x4] =	wrdreg $0xC0  }
0xab: {  	_ =	task [dreg:s6], $0x5FFFF  }
0xac: {  	[dreg:$0x1] =	wrdreg $0xFFFFFFFF  }
0xad: {  	[dreg:$0x0] =	wrdreg $0x60  }
0xae: {  	[dreg:$0x2] =	wrdreg s24  }
0xaf: {  	[dreg:$0x3] =	wrdreg $0x8D700  }
0xb0: {  	[dreg:$0x4] =	wrdreg $0x9  }
0xb1: {  	_ =	task.clear_ibuf [dreg:s6], $0x5FFFF;
	_ =	strace $0x90000049  }
0xb2: {  	s29 =	simm.s32 $0x9;
	_ =	strace $0x8000004B  }
0xb3: {  	_ =	swait.ge [sflag:s29], $0x1  }
0xb4: {  	[sflag:s29] =	ssyncadd.s32 $0xFFFFFFFF  }
0xb5: {  	_ =	strace $0x9000004B  }
0xb6: {  	_ =	sfence  }
0xb7: {  	s30 =	sld [smem:$0x0];
	_ =	sdelay $0x2  }
0xb8: {  	s31 =	sshll.u32 s1, $0xD;
	s1 =	sshrl.u32 s1, $0x2  }
0xb9: {  	s3 =	sand.u32 $0x4000, s31;
	s1 =	sadd.s32 s1, s30  }
0xba: {  	s0 =	sor.u32 s3, s0;
	s1 =	sshll.u32 s1, $0x11  }
0xbb: {  	s0 =	sor.u32 s1, s0  }
0xbc: {  	s0 =	sadd.s32 $0x8F2B, s0  }
0xbd: {  	[sflag:s0] =	ssyncadd.remote.s32 $0x1  }
0xbe: {  	_ =	sfence.sel $0xFFFF  }
0xbf: {  	[dreg:$0x0] =	wrdreg $0xFFFFFFFF;
	(pc) =	sbr.abs _section_cstart, $3  }
0xc0: {  	[dreg:$0x1] =	wrdreg $0xFFFFFFFF  }
0xc1: {  	_ =	task.clear_ibuf [dreg:s6], $0x2FFFF;
	_ =	strace $0x9FFFFFFF  }
0xc2: {  	(tm) =	ssettm $0x7FFFFFFF  }
0xc3: {  	_ =	shalt  }
tec
execute0_lowered:
.L_overlay_start_1:
0x0: {  	(tag) =	ssettag $0x1  }
0x1: {  	s0 =	srdreg.scid;
	s5 =	rddreg [dreg:$0x0]  }
0x2: {  	s1 =	rddreg [dreg:$0x1];
	s6 =	stileid.u32  }
0x3: {  	s2 =	simm.s32 $0x0;
	s19 =	simm.s32 $0x28A0;
	s28 =	simm.s32 $0x5  }
0x4: {  	s29 =	simm.s32 $0x2;
	s30 =	simm.s32 $0x4;
	s31 =	simm.s32 $0x6  }
0x5: {  	s0 =	sand.u32 $0x1, s0;
	[smem:$0x7FF] =	sst s2;
	s9 =	smul.u32 $0x13800, s6  }
0x6: {  	s4 =	sadd.s32 $0xC200, s5;
	s20 =	sshll.u32 s6, $0x6;
	s21 =	smul.u32 $0x28A0, s6  }
0x7: {  	s18 =	sadd.s32 $0x138000, s1;
	p0 =	sne.s32 s6, $0x0;
	s3 =	sshll.u32 s0, $0x4  }
0x8: {  	_ =	strace $0x8000004A;
	s11 =	smul.u32 $0x27100, s0;
	s12 =	ssub.s32 $0x2, s0  }
0x9: {  	s0 =	smul.u32 $0x28A00, s0;
	s18 =	sshrl.u32 @!p0 s18, $0x3;
	s7 =	sor.u32 s6, s3  }
0xa: {  	s3 =	sadd.s32 $0x20A00, s5;
	s13 =	sshrl.u32 s9, $0x3;
	s14 =	sshrl.u32 s12, $0x1  }
0xb: {  	s17 =	sadd.s32 s9, s1;
	s8 =	smul.u32 $0x514, s7;
	[dreg:$0x3] =	wrdreg s13  }
0xc: {  	s13 =	sadd.s32 s13, s5;
	s15 =	smul.u32 $0x28A0, s7;
	s16 =	sadd.s32 s11, s5  }
0xd: {  	s14 =	ssub.s32 s12, s14;
	s7 =	sor.u32 $0x1C07, s20;
	s0 =	sadd.s32 s21, s0  }
0xe: {  	s20 =	simm.s32 $0x64;
	s21 =	simm.s32 $0x2970;
	s22 =	sadd.s32 $0x47C00, s13  }
0xf: {  	s25 =	sadd.s32 $0x138, s0;
	s12 =	sadd.s32 $0x6EE00, s16;
	s13 =	smax.u32 s14, $0x1  }
0x10: {  	s16 =	sshrl.u32 s17, $0x3;
	s17 =	simm.s32 $0x7;
	s10 =	sadd.s32 s8, s5  }
0x11: {  	[dreg:$0x4] =	wrdreg s22;
	s5 =	sadd.s32 $0x6EC00, s5;
	s23 =	sadd.s32 $0x68, s15  }
0x12: {  	s8 =	sadd.s32 s4, s8;
	s26 =	sshrl.u32 s25, $0x3;
	s15 =	sadd.s32 $0xD0, s0  }
0x13: {  	s22 =	simm.s32 $0x2908;
	s25 =	simm.s32 $0x1;
	s0 =	simm.s32 $0x0  }
0x14: {  	[dreg:$0x5] =	wrdreg s5;
	s24 =	sadd.s32 $0x16600, s10;
	s5 =	sshrl.u32 s23, $0x3  }
0x15: {  	[dreg:$0x7] =	wrdreg s8;
	s14 =	sadd.s32 s26, s4;
	s26 =	simm.s32 $0x3  }
0x16: {  	[dreg:$0x6] =	wrdreg s24;
	s11 =	sadd.s32 s4, s5;
	s24 =	simm.s32 $0x5B70  }
.LBB2_1:
0x17: {  	s5 =	rddreg [dreg:$0x4]  }
0x18: {  	[spmem:s16], [sflag:s7] =	dma.local [hbm:s5], $0x2700  }
0x19: {  	_ =	swait.ge [sflag:s17], $0x2700  }
0x1a: {  	[sflag:s17] =	ssyncset.done $0x0  }
0x1b: {  	s5 =	rddreg [dreg:$0x5];
	[sflag:s17] =	ssyncadd.s32 $0xFFFFD900  }
0x1c: {  	[spmem:s18], [sflag:s7] =	dma.local @!p0 [hbm:s5], $0x100  }
0x1d: {  	s5 =	simm.s32 @!p0 $0x7  }
0x1e: {  	_ =	swait.ge @!p0 [sflag:s5], $0x100  }
0x1f: {  	[sflag:s5] =	ssyncset.done @!p0 $0x0  }
0x20: {  	s23 =	rddreg [dreg:$0x6];
	[sflag:s5] =	ssyncadd.s32 @!p0 $0xFFFFFF00  }
0x21: {  	[tilespmem:s2], [sflag:$0x7] =	stream.linear.gather [hbm4b:s23+s2], $0x28A0, $0x38;
	[tilespmem:$0x1C5F0] =	vst v63  }
0x22: {  	_ =	swait.ge [sflag:s17], $0x28A0  }
0x23: {  	[sflag:s17] =	ssyncset.done $0x0  }
0x24: {  	[sflag:s17] =	ssyncadd.s32 $0xFFFFD760  }
0x25: {  	[bflag:$0x0] =	sbarrier.arrive $0xFFFF  }
0x26: {  	s6 =	rddreg [dreg:$0x7]  }
0x27: {  	[tilespmem:s19], [sflag:$0x3] =	stream.linear.gather [hbm4b:s6+s2], $0x68, $0x38;
	[tilespmem:$0x1C5F0] =	vst v63  }
0x28: {  	_ = 	snop  }
0x29: {  	[tilespmem:s21], [sflag:$0x1] =	stream.indirect.gather [hbm4b:s3+s20], $0x80, s2, s20, $0xb8;
	[tilespmem:$0x1C5F0] =	vst v63  }
0x2a: {  	_ = 	snop  }
0x2b: {  	[tilespmem:s22], [sflag:$0x4] =	stream.linear.gather [hbm4b:s11+s2], $0x68, $0x38;
	[tilespmem:$0x1C5F0] =	vst v63  }
0x2c: {  	s8 =	simm.s32 $0x68  }
0x2d: {  	[tilespmem:s24], [sflag:$0x2] =	stream.indirect.gather [hbm4b:s3+s20], $0x80, s8, s20, $0xb8;
	[tilespmem:$0x1C5F0] =	vst v63  }
0x2e: {  	_ =	swait.ge [sflag:s25], $0x3200  }
0x2f: {  	[sflag:s25] =	ssyncset.done $0x0  }
0x30: {  	[sflag:s25] =	ssyncadd.s32 $0xFFFFCE00  }
0x31: {  	_ =	swait.ge [sflag:s26], $0x68  }
0x32: {  	[sflag:s26] =	ssyncset.done $0x0  }
0x33: {  	[sflag:s26] =	ssyncadd.s32 $0xFFFFFF98  }
0x34: {  	[spmem:s1] =	stream.indirect.scatter.add.f32 [tilespmem:s21], [sflag:$0x5], $0x80, s19, s20, $0xb8;
	[tilespmem:$0x1C5F0] =	vst v63  }
0x35: {  	_ =	swait.ge [sflag:s28], $0x3200  }
0x36: {  	s9 =	sshrl.u32 s15, $0x3;
	[sflag:s28] =	ssyncset.done $0x0  }
0x37: {  	s5 =	sadd.s32 s4, s9;
	[sflag:s28] =	ssyncadd.s32 $0xFFFFCE00  }
0x38: {  	[tilespmem:s19], [sflag:$0x3] =	stream.linear.gather [hbm4b:s5+s2], $0x68, $0x38;
	[tilespmem:$0x1C5F0] =	vst v63  }
0x39: {  	s10 =	simm.s32 $0xD0  }
0x3a: {  	[tilespmem:s21], [sflag:$0x1] =	stream.indirect.gather [hbm4b:s3+s20], $0x80, s10, s20, $0xb8;
	[tilespmem:$0x1C5F0] =	vst v63  }
0x3b: {  	_ =	swait.ge [sflag:s29], $0x3200  }
0x3c: {  	[sflag:s29] =	ssyncset.done $0x0  }
0x3d: {  	[sflag:s29] =	ssyncadd.s32 $0xFFFFCE00  }
0x3e: {  	_ =	swait.ge [sflag:s30], $0x68  }
0x3f: {  	[sflag:s30] =	ssyncset.done $0x0  }
0x40: {  	[sflag:s30] =	ssyncadd.s32 $0xFFFFFF98  }
0x41: {  	[spmem:s1] =	stream.indirect.scatter.add.f32 [tilespmem:s24], [sflag:$0x6], $0x80, s22, s20, $0xb8;
	[tilespmem:$0x1C5F0] =	vst v63  }
0x42: {  	_ =	swait.ge [sflag:s31], $0x3200  }
0x43: {  	[sflag:s31] =	ssyncset.done $0x0  }
0x44: {  	s23 =	sadd.s32 $0x0, s14;
	s6 =	sadd.s32 $0xD0, s15;
	[sflag:s31] =	ssyncadd.s32 $0xFFFFCE00  }
0x45: {  	[tilespmem:s22], [sflag:$0x4] =	stream.linear.gather [hbm4b:s23+s2], $0x68, $0x38;
	[tilespmem:$0x1C5F0] =	vst v63  }
0x46: {  	s8 =	simm.s32 $0x208;
	s5 =	simm.s32 $0x1A;
	s23 =	simm.s32 $0x138  }
.LBB2_2:
0x47: {  	[tilespmem:s24], [sflag:$0x2] =	stream.indirect.gather [hbm4b:s3+s20], $0x80, s23, s20, $0xb8;
	[tilespmem:$0x1C5F0] =	vst v63  }
0x48: {  	s9 =	smov.u32 s5;
	s23 =	smov.u32 s8  }
0x49: {  	p1 =	sne.s32 s5, $0x4E0;
	s5 =	sadd.s32 $0x1A, s5;
	_ =	swait.ge [sflag:s25], $0x3200  }
0x4a: {  	[sflag:s25] =	ssyncset.done $0x0  }
0x4b: {  	[sflag:s25] =	ssyncadd.s32 $0xFFFFCE00  }
0x4c: {  	_ =	swait.ge [sflag:s26], $0x68  }
0x4d: {  	[sflag:s26] =	ssyncset.done $0x0  }
0x4e: {  	[sflag:s26] =	ssyncadd.s32 $0xFFFFFF98  }
0x4f: {  	[spmem:s1] =	stream.indirect.scatter.add.f32 [tilespmem:s21], [sflag:$0x5], $0x80, s19, s20, $0xb8;
	[tilespmem:$0x1C5F0] =	vst v63  }
0x50: {  	_ =	swait.ge [sflag:s28], $0x3200  }
0x51: {  	s10 =	sshrl.u32 s6, $0x3;
	[sflag:s28] =	ssyncset.done $0x0  }
0x52: {  	s10 =	sadd.s32 s4, s10;
	[sflag:s28] =	ssyncadd.s32 $0xFFFFCE00  }
0x53: {  	[tilespmem:s19], [sflag:$0x3] =	stream.linear.gather [hbm4b:s10+s2], $0x68, $0x38;
	[tilespmem:$0x1C5F0] =	vst v63  }
0x54: {  	s10 =	sadd.s32 $0xFFFFFF98, s8  }
0x55: {  	[tilespmem:s21], [sflag:$0x1] =	stream.indirect.gather [hbm4b:s3+s20], $0x80, s10, s20, $0xb8;
	[tilespmem:$0x1C5F0] =	vst v63  }
0x56: {  	_ =	swait.ge [sflag:s29], $0x3200  }
0x57: {  	[sflag:s29] =	ssyncset.done $0x0  }
0x58: {  	[sflag:s29] =	ssyncadd.s32 $0xFFFFCE00  }
0x59: {  	_ =	swait.ge [sflag:s30], $0x68  }
0x5a: {  	[sflag:s30] =	ssyncset.done $0x0  }
0x5b: {  	[sflag:s30] =	ssyncadd.s32 $0xFFFFFF98  }
0x5c: {  	[spmem:s1] =	stream.indirect.scatter.add.f32 [tilespmem:s24], [sflag:$0x6], $0x80, s22, s20, $0xb8;
	[tilespmem:$0x1C5F0] =	vst v63  }
.Ltmp0:
0x5d: {  	_ =	swait.ge [sflag:s31], $0x3200;
	(pc) =	sbr.rel @p1 .LBB2_2-.Ltmp0, $4  }
0x5e: {  	[sflag:s31] =	ssyncset.done $0x0  }
0x5f: {  	s9 =	sadd.s32 s9, s14;
	[sflag:s31] =	ssyncadd.s32 $0xFFFFCE00  }
0x60: {  	[tilespmem:s22], [sflag:$0x4] =	stream.linear.gather [hbm4b:s9+s2], $0x68, $0x38;
	[tilespmem:$0x1C5F0] =	vst v63  }
0x61: {  	s6 =	sadd.s32 $0xD0, s6;
	s8 =	sadd.s32 $0xD0, s8  }
0x62: {  	[tilespmem:s24], [sflag:$0x2] =	stream.indirect.gather [hbm4b:s3+s20], $0x80, s23, s20, $0xb8;
	[tilespmem:$0x1C5F0] =	vst v63  }
0x63: {  	_ =	swait.ge [sflag:s25], $0x3200  }
0x64: {  	[sflag:s25] =	ssyncset.done $0x0  }
0x65: {  	[sflag:s25] =	ssyncadd.s32 $0xFFFFCE00  }
0x66: {  	_ =	swait.ge [sflag:s26], $0x68  }
0x67: {  	[sflag:s26] =	ssyncset.done $0x0  }
0x68: {  	[sflag:s26] =	ssyncadd.s32 $0xFFFFFF98  }
0x69: {  	[spmem:s1] =	stream.indirect.scatter.add.f32 [tilespmem:s21], [sflag:$0x5], $0x80, s19, s20, $0xb8;
	[tilespmem:$0x1C5F0] =	vst v63  }
0x6a: {  	_ =	swait.ge [sflag:s28], $0x3200  }
0x6b: {  	[sflag:s28] =	ssyncset.done $0x0  }
0x6c: {  	[sflag:s28] =	ssyncadd.s32 $0xFFFFCE00  }
0x6d: {  	_ =	swait.ge [sflag:s29], $0x3200  }
0x6e: {  	[sflag:s29] =	ssyncset.done $0x0  }
0x6f: {  	[sflag:s29] =	ssyncadd.s32 $0xFFFFCE00  }
0x70: {  	_ =	swait.ge [sflag:s30], $0x68  }
0x71: {  	[sflag:s30] =	ssyncset.done $0x0  }
0x72: {  	[sflag:s30] =	ssyncadd.s32 $0xFFFFFF98  }
0x73: {  	[spmem:s1] =	stream.indirect.scatter.add.f32 [tilespmem:s24], [sflag:$0x6], $0x80, s22, s20, $0xb8;
	[tilespmem:$0x1C5F0] =	vst v63  }
0x74: {  	_ =	swait.ge [sflag:s31], $0x3200  }
0x75: {  	[sflag:s31] =	ssyncset.done $0x0  }
0x76: {  	[sflag:s31] =	ssyncadd.s32 $0xFFFFCE00  }
0x77: {  	[bflag:$0x0] =	sbarrier.arrive $0xFFFF  }
0x78: {  	s5 =	rddreg [dreg:$0x3]  }
0x79: {  	s5 =	sadd.s32 s5, s12  }
0x7a: {  	[hbm:s5], [sflag:s7] =	dma.local [spmem:s16], $0x2700  }
0x7b: {  	_ =	swait.ge [sflag:s17], $0x2700  }
0x7c: {  	s0 =	sadd.s32 $0x1, s0;
	[sflag:s17] =	ssyncset.done $0x0  }
0x7d: {  	p1 =	sne.s32 s0, s13;
	s5 =	sadd.s32 @!p0 $0x27000, s12;
	[sflag:s17] =	ssyncadd.s32 $0xFFFFD900  }
0x7e: {  	[hbm:s5], [sflag:s7] =	dma.local @!p0 [spmem:s18], $0x100  }
.Ltmp1:
0x7f: {  	_ = 	snop;
	(pc) =	sbr.rel @p1 .LBB2_1-.Ltmp1, $4  }
0x80: {  	s5 =	simm.s32 @!p0 $0x7  }
0x81: {  	_ =	swait.ge @!p0 [sflag:s5], $0x100  }
0x82: {  	[sflag:s5] =	ssyncset.done @!p0 $0x0  }
0x83: {  	[sflag:s5] =	ssyncadd.s32 @!p0 $0xFFFFFF00  }
0x84: {  	_ =	sfence.sel $0x180000  }
0x85: {  	[bflag:$0x0] =	sbarrier.arrive $0xFFFF  }
0x86: {  	_ =	strace $0x9000004A  }
0x87: {  	[bflag:$0x2] =	sbarrier.arrive $0xFFFF  }
0x88: {  	s0 =	rddreg [dreg:$0x2]  }
0x89: {  	s0 =	sadd.s32 @!p0 $0x100000, s0  }
0x8a: {  	[sflag:s0] =	ssyncadd.tile.s32 @!p0 $0x1;
	_ =	shalt  }
.Lfunc_end2:
_tile_overlayer_lowered:
.L_overlay_start_2:
0x8b: {  	(tag) =	ssettag $0x2  }
0x8c: {  	s0 =	rddreg [dreg:$0x0];
	s2 =	stileid.u32  }
0x8d: {  	s1 =	rddreg [dreg:$0x1];
	p0 =	sne.s32 s2, $0x0  }
0x8e: {  	s3 =	rddreg [dreg:$0x2];
	[bflag:$0x3] =	sbarrier.arrive $0xFFFF;
	s2 =	simm.s32 @!p0 $0x1C07  }
0x8f: {  	[timem:s3], [sflag:s2] =	dma.local @!p0 [hbm:s0], s1  }
0x90: {  	s0 =	simm.s32 @!p0 $0x7  }
0x91: {  	_ =	swait.ge @!p0 [sflag:s0], s1  }
0x92: {  	s1 =	ssub.s32 @!p0 $0x0, s1;
	[sflag:s0] =	ssyncset.done @!p0 $0x0  }
0x93: {  	[sflag:s0] =	ssyncadd.s32 @!p0 s1  }
0x94: {  	[bflag:$0x3] =	sbarrier.arrive $0xFFFF  }
0x95: {  	_ =	shalt  }

// kernel: kernel.14.cloned.1.call-start
scs
__scs_entry_jumppad:
0x0: {  	(pc) =	sbr.rel $0x88, $3  }
0x1: {  	(tag) =	ssettag $0x0;
	lr =	simm.s32 $0x1  }
0x2: {  	[smem:$0x3F9B] =	sst lr;
	_ =	strace $0xD0000000  }
0x3: {  	_ = 	snop  }
0x4: {  	_ = 	snop  }
0x5: {  	_ = 	snop  }
0x6: {  	_ = 	snop  }
0x7: {  	_ = 	snop  }
__scs_overlays_trampoline_lowered:
0x8: {  	[smem:$0x3FAA] =	sst s0  }
0x9: {  	[smem:$0x3FAB] =	sst s1  }
0xa: {  	[smem:$0x3FAC] =	sst s2  }
0xb: {  	[smem:$0x3FAD] =	sst s3  }
0xc: {  	[smem:$0x3FAE] =	sst s4  }
0xd: {  	[smem:$0x3FAF] =	sst s5  }
0xe: {  	[smem:$0x3FB0] =	sst s6  }
0xf: {  	[smem:$0x3FB1] =	sst s7  }
0x10: {  	[smem:$0x3FB2] =	sst s8  }
0x11: {  	[smem:$0x3FB3] =	sst s9;
	s0 =	simm.s32 @!p0 $0x0  }
0x12: {  	s1 =	sld [smem:$0x3F99];
	s0 =	simm.s32 @p0 $0x1  }
0x13: {  	[smem:$0x3FB4] =	sst s0;
	s0 =	simm.s32 @!p1 $0x0  }
0x14: {  	s2 =	sld [smem:$0x3F98];
	s0 =	simm.s32 @p1 $0x1  }
0x15: {  	[smem:$0x3FB5] =	sst s0;
	s0 =	simm.s32 @!p2 $0x0  }
0x16: {  	s3 =	sld [smem:$0x3FDB];
	s0 =	simm.s32 @p2 $0x1  }
0x17: {  	s4 =	simm.s32 $0x1BF5;
	[smem:$0x3FB7] =	sst s0  }
0x18: {  	s0 =	sld [smem:$0x3F9A];
	_ =	swait.ge [sflag:s4], $0x0  }
0x19: {  	s7 =	sld [smem:$0x3F9B]  }
0x1a: {  	s8 =	sadd.s32 $0xFFFFE003, lr  }
0x1b: {  	s9 =	sadd.s32 $0xFFFFFEF7, lr;
	s5 =	simm.s32 $0xFFFFFFFF;
	p2 =	slt.u32 s8, $0xFFFFF086  }
0x1c: {  	p1 =	slt.u32 s9, $0xF7A;
	s5 =	simm.s32 @!p2 $0x0  }
0x1d: {  	s5 =	simm.s32 @p1 $0x1;
	p0 =	seq.s32 s7, s2  }
0x1e: {  	s7 =	smul.u32 @!p0 $0xF7A, s2;
	p2 =	seq.s32 @!p0 s5, $0x0  }
0x1f: {  	s9 =	smul.u32 $0xF7A, s1;
	s8 =	simm.s32 @!p0 $0x1BF5;
	p2 =	por !p2, p0  }
0x20: {  	[sflag:s8] =	ssyncset.s32 @!p0 $0xFFFFF086;
	s6 =	sadd.s32 @!p0 s3, s7;
	s7 =	simm.s32 @!p0 $0x108  }
0x21: {  	s3 =	sadd.s32 s3, s9;
	s6 =	sadd.s32 @!p0 $0x88, s6;
	s7 =	simm.s32 @p2 $0x1082  }
0x22: {  	[simem:s7], [sflag:s8] =	dma.local @!p0 [hbm:s6], $0xF7A  }
0x23: {  	s9 =	sor.u32 $0xD0000000, s2;
	s6 =	simm.s32 $0x108;
	_ =	swait.ge @!p0 [sflag:s8], $0x0  }
0x24: {  	s3 =	sadd.s32 $0x88, s3;
	s6 =	simm.s32 @!p1 $0x1082;
	[sflag:s4] =	ssyncset.s32 $0xFFFFF086  }
0x25: {  	[simem:s6], [sflag:s4] =	dma.local [hbm:s3], $0xF7A  }
0x26: {  	[smem:$0x3F9B] =	sst s1;
	(tag) =	ssettag s2;
	_ =	strace s9  }
0x27: {  	s1 =	sld [smem:$0x3FAB]  }
0x28: {  	s2 =	sld [smem:$0x3FAC]  }
0x29: {  	s4 =	sld [smem:$0x3FAE]  }
0x2a: {  	p0 =	seq.s32 s5, $0x0;
	s5 =	sld [smem:$0x3FAF]  }
0x2b: {  	s6 =	sld [smem:$0x3FB0]  }
0x2c: {  	s7 =	sld [smem:$0x3FB1]  }
0x2d: {  	s3 =	simm.s32 $0x108;
	s8 =	sld [smem:$0x3FB2]  }
0x2e: {  	s3 =	simm.s32 @!p0 $0x1082;
	s9 =	sld [smem:$0x3FB3]  }
0x2f: {  	lr =	sadd.s32 s0, s3;
	s0 =	sld [smem:$0x3FAA]  }
0x30: {  	s3 =	sld [smem:$0x3FAD]  }
0x31: {  	[smem:$0x3FB6] =	sst s10  }
0x32: {  	s10 =	sld [smem:$0x3FB4];
	_ =	sdelay $0x3  }
0x33: {  	p0 =	seq.s32 s10, $0x1;
	s10 =	sld [smem:$0x3FB6];
	_ =	sdelay $0x3  }
0x34: {  	[smem:$0x3FB6] =	sst s10  }
0x35: {  	s10 =	sld [smem:$0x3FB5];
	_ =	sdelay $0x3  }
0x36: {  	p1 =	seq.s32 s10, $0x1;
	s10 =	sld [smem:$0x3FB6];
	_ =	sdelay $0x3  }
0x37: {  	[smem:$0x3FB6] =	sst s10  }
0x38: {  	s10 =	sld [smem:$0x3FB7]  }
0x39: {  	_ = 	snop;
	(pc) =	sbr.ind lr, $3  }
0x3a: {  	_ = 	snop  }
0x3b: {  	_ = 	snop  }
0x3c: {  	p2 =	seq.s32 s10, $0x1;
	s10 =	sld [smem:$0x3FB6]  }
0x3d: {  	_ =	shalt  }
0x3e: {  	_ =	shalt  }
0x3f: {  	_ =	shalt  }
0x40: {  	_ =	shalt  }
0x41: {  	_ =	shalt  }
0x42: {  	_ =	shalt  }
0x43: {  	_ =	shalt  }
0x44: {  	_ =	shalt  }
0x45: {  	_ =	shalt  }
0x46: {  	_ =	shalt  }
0x47: {  	_ =	shalt  }
0x48: {  	_ =	shalt  }
0x49: {  	_ =	shalt  }
0x4a: {  	_ =	shalt  }
0x4b: {  	_ =	shalt  }
0x4c: {  	_ =	shalt  }
0x4d: {  	_ =	shalt  }
0x4e: {  	_ =	shalt  }
0x4f: {  	_ =	shalt  }
0x50: {  	_ =	shalt  }
0x51: {  	_ =	shalt  }
0x52: {  	_ =	shalt  }
0x53: {  	_ =	shalt  }
0x54: {  	_ =	shalt  }
0x55: {  	_ =	shalt  }
0x56: {  	_ =	shalt  }
0x57: {  	_ =	shalt  }
0x58: {  	_ =	shalt  }
0x59: {  	_ =	shalt  }
0x5a: {  	_ =	shalt  }
0x5b: {  	_ =	shalt  }
0x5c: {  	_ =	shalt  }
0x5d: {  	_ =	shalt  }
0x5e: {  	_ =	shalt  }
0x5f: {  	_ =	shalt  }
0x60: {  	_ =	shalt  }
0x61: {  	_ =	shalt  }
0x62: {  	_ =	shalt  }
0x63: {  	_ =	shalt  }
0x64: {  	_ =	shalt  }
0x65: {  	_ =	shalt  }
0x66: {  	_ =	shalt  }
0x67: {  	_ =	shalt  }
0x68: {  	_ =	shalt  }
0x69: {  	_ =	shalt  }
0x6a: {  	_ =	shalt  }
0x6b: {  	_ =	shalt  }
0x6c: {  	_ =	shalt  }
0x6d: {  	_ =	shalt  }
0x6e: {  	_ =	shalt  }
0x6f: {  	_ =	shalt  }
0x70: {  	_ =	shalt  }
0x71: {  	_ =	shalt  }
0x72: {  	_ =	shalt  }
0x73: {  	_ =	shalt  }
0x74: {  	_ =	shalt  }
0x75: {  	_ =	shalt  }
0x76: {  	_ =	shalt  }
0x77: {  	_ =	shalt  }
0x78: {  	_ =	shalt  }
0x79: {  	_ =	shalt  }
0x7a: {  	_ =	shalt  }
0x7b: {  	_ =	shalt  }
0x7c: {  	_ =	shalt  }
0x7d: {  	_ =	shalt  }
0x7e: {  	_ =	shalt  }
0x7f: {  	_ =	shalt  }
0x80: {  	_ =	shalt  }
0x81: {  	_ =	shalt  }
0x82: {  	_ =	shalt  }
0x83: {  	_ =	shalt  }
0x84: {  	_ =	shalt  }
0x85: {  	_ =	shalt  }
0x86: {  	_ =	shalt  }
0x87: {  	_ =	shalt  }
.Lfunc_end0:
.L_simem_size_0:
called_computation.2_lowered:
.L_overlay_start_0:
0x88: {  	s2 =	sld [smem:$0x3FD9]  }
0x89: {  	s3 =	sld [smem:$0x3FFE];
	_ =	sdelay $0x1  }
0x8a: {  	s1 =	srdreg.scid  }
0x8b: {  	s0 =	sand.u32 $0x1, s1  }
0x8c: {  	s17 =	sshll.u32 s0, $0xA;
	s2 =	sadd.s32 s3, s2  }
0x8d: {  	s2 =	sadd.s32 s2, s17  }
0x8e: {  	[smem:$0x3FC2] =	sst s2  }
0x8f: {  	_ = 	snop  }
0x90: {  	s2 =	sld [smem:$0x3FD0];
	(tm) =	ssettm $0x1  }
0x91: {  	s18 =	sld [smem:$0x3FFB];
	_ =	sdelay $0x3  }
0x92: {  	_ =	strace s18  }
0x93: {  	s3 =	sld [smem:$0x3FFC];
	_ =	sdelay $0x3  }
0x94: {  	_ =	strace s3  }
0x95: {  	s3 =	sld [smem:$0x3FFD];
	_ =	sdelay $0x3  }
0x96: {  	_ =	strace s3  }
0x97: {  	_ =	strace $0x8FFFFFFF  }
0x98: {  	s19 =	sld [smem:$0x3FDB];
	_ =	sdelay $0x1  }
0x99: {  	s4 =	simm.s32 $_scs_section_size  }
0x9a: {  	s5 =	simm.s32 $_size__tile_overlayer_lowered;
	s6 =	simm.s32 $_tile_overlayer_lowered  }
0x9b: {  	s22 =	simm.s32 $0x1BFF;
	s21 =	sshll.u32 s6, $0x1;
	s3 =	sadd.s32 s4, s19  }
0x9c: {  	s7 =	simm.s32 $0x0;
	s20 =	sshll.u32 s5, $0x1;
	s5 =	sadd.s32 s21, s3  }
0x9d: {  	[timem:s7], [sflag:s22] =	dma.local [hbm:s5], s20  }
0x9e: {  	_ =	swait.ge [sflag:s22], s20  }
0x9f: {  	s4 =	ssub.s32 $0x0, s20;
	[sflag:s22] =	ssyncset.done $0x0  }
0xa0: {  	[sflag:s22] =	ssyncadd.s32 s4;
	_ =	sdelay $0x1  }
0xa1: {  	s23 =	simm.s32 $0x1B8B  }
0xa2: {  	_ =	swait.ge [sflag:s23], $0x1  }
0xa3: {  	[sflag:s23] =	ssyncset.done $0x0  }
0xa4: {  	s25 =	simm.s32 $0x1B8E;
	s24 =	sld [smem:$0x3FFE];
	[sflag:s23] =	ssyncadd.s32 $0xFFFFFFFF  }
0xa5: {  	s26 =	simm.s32 $execute0_lowered;
	[smem:$0x3FD2] =	sst s25  }
0xa6: {  	s5 =	sshll.u32 s26, $0x1;
	_ =	strace $0x8000004C;
	[dreg:$0x1] =	wrdreg $0xFFFFFFFF  }
0xa7: {  	s28 =	simm.s32 $_size_execute0_lowered;
	s3 =	sadd.s32 s3, s5;
	[dreg:$0x0] =	wrdreg $0x0  }
0xa8: {  	s5 =	sshll.u32 s28, $0x1;
	[dreg:$0x2] =	wrdreg s3  }
0xa9: {  	[dreg:$0x3] =	wrdreg s5  }
0xaa: {  	[dreg:$0x4] =	wrdreg $0xC0  }
0xab: {  	_ =	task [dreg:s7], $0x5FFFF  }
0xac: {  	[dreg:$0x1] =	wrdreg $0xFFFFFFFF  }
0xad: {  	[dreg:$0x0] =	wrdreg $0x60  }
0xae: {  	[dreg:$0x2] =	wrdreg s2  }
0xaf: {  	[dreg:$0x3] =	wrdreg s24  }
0xb0: {  	[dreg:$0x4] =	wrdreg $0x8E400  }
0xb1: {  	[dreg:$0x5] =	wrdreg $0x9  }
0xb2: {  	_ =	task.clear_ibuf [dreg:s7], $0x6FFFF;
	_ =	strace $0x9000004C  }
0xb3: {  	s29 =	simm.s32 $0x9;
	_ =	strace $0x8000004E  }
0xb4: {  	_ =	swait.ge [sflag:s29], $0x1  }
0xb5: {  	[sflag:s29] =	ssyncadd.s32 $0xFFFFFFFF  }
0xb6: {  	_ =	strace $0x9000004E  }
0xb7: {  	_ =	sfence  }
0xb8: {  	s30 =	sld [smem:$0x0];
	_ =	sdelay $0x2  }
0xb9: {  	s31 =	sshll.u32 s1, $0xD;
	s1 =	sshrl.u32 s1, $0x2  }
0xba: {  	s3 =	sand.u32 $0x4000, s31;
	s1 =	sadd.s32 s1, s30  }
0xbb: {  	s0 =	sor.u32 s3, s0;
	s1 =	sshll.u32 s1, $0x11  }
0xbc: {  	s0 =	sor.u32 s1, s0  }
0xbd: {  	s0 =	sadd.s32 $0x8F2B, s0  }
0xbe: {  	[sflag:s0] =	ssyncadd.remote.s32 $0x1  }
0xbf: {  	_ =	sfence.sel $0xFFFF  }
0xc0: {  	[dreg:$0x0] =	wrdreg $0xFFFFFFFF;
	(pc) =	sbr.abs _section_cstart, $3  }
0xc1: {  	[dreg:$0x1] =	wrdreg $0xFFFFFFFF  }
0xc2: {  	_ =	task.clear_ibuf [dreg:s7], $0x2FFFF;
	_ =	strace $0x9FFFFFFF  }
0xc3: {  	(tm) =	ssettm $0x7FFFFFFF  }
tec
execute0_lowered:
.L_overlay_start_1:
0x0: {  	(tag) =	ssettag $0x1  }
0x1: {  	s0 =	rddreg [dreg:$0x0]  }
0x2: {  	s1 =	srdreg.scid;
	s5 =	rddreg [dreg:$0x1]  }
0x3: {  	s2 =	rddreg [dreg:$0x2];
	s6 =	stileid.u32  }
0x4: {  	s3 =	simm.s32 $0x0;
	s30 =	simm.s32 $0x2970;
	s29 =	simm.s32 $0x7540  }
0x5: {  	s31 =	simm.s32 $0x1;
	s28 =	simm.s32 $0x5;
	s1 =	sand.u32 $0x1, s1  }
0x6: {  	[smem:$0x7FF] =	sst s3;
	s8 =	smul.u32 $0x9C00, s6;
	s24 =	sshll.u32 s6, $0x6  }
0x7: {  	s26 =	sadd.s32 $0x9C000, s2;
	s16 =	smul.u32 $0x28A0, s6;
	p0 =	sne.s32 s6, $0x0  }
0x8: {  	s4 =	sshll.u32 s1, $0x4;
	_ =	strace $0x8000004D;
	s11 =	smul.u32 $0x13880, s1  }
0x9: {  	s12 =	ssub.s32 $0x2, s1;
	[dreg:$0x8] =	wrdreg s26;
	s1 =	smul.u32 $0x28A00, s1  }
0xa: {  	s7 =	sor.u32 s6, s4;
	s4 =	sadd.s32 $0xC200, s5;
	s14 =	sshrl.u32 s8, $0x3  }
0xb: {  	s13 =	sshrl.u32 s12, $0x1;
	s8 =	sadd.s32 s8, s2;
	s6 =	simm.s32 $0x9  }
0xc: {  	s9 =	smul.u32 $0x514, s7;
	[dreg:$0x4] =	wrdreg s14;
	s14 =	sadd.s32 s14, s5  }
0xd: {  	s11 =	sadd.s32 s11, s5;
	s12 =	ssub.s32 s12, s13;
	[dreg:$0x5] =	wrdreg s8  }
0xe: {  	s7 =	smul.u32 $0x28A0, s7;
	s13 =	sor.u32 $0x1C0D, s24;
	s1 =	sadd.s32 s16, s1  }
0xf: {  	s16 =	simm.s32 $0x0;
	s25 =	sadd.s32 $0x20A00, s14;
	s19 =	sadd.s32 $0x34400, s11  }
0x10: {  	s20 =	smax.u32 s12, $0x1;
	s21 =	sadd.s32 $0x2D8, s1;
	s22 =	sadd.s32 $0x270, s1  }
0x11: {  	s23 =	sadd.s32 $0x208, s1;
	s1 =	sadd.s32 $0x1A0, s1;
	[dreg:$0x7] =	wrdreg s13  }
0x12: {  	s11 =	simm.s32 $0x8;
	s12 =	simm.s32 $0xC;
	[dreg:$0x6] =	wrdreg s25  }
0x13: {  	s10 =	sadd.s32 s9, s5;
	s5 =	sadd.s32 $0x34200, s5;
	[dreg:$0xf] =	wrdreg s19  }
0x14: {  	s14 =	sadd.s32 s4, s9;
	s15 =	sshrl.u32 s7, $0x3;
	[dreg:$0x10] =	wrdreg s20  }
0x15: {  	s24 =	sshrl.u32 s22, $0x3;
	s25 =	sshrl.u32 s23, $0x3;
	[dreg:$0x14] =	wrdreg s1  }
0x16: {  	s23 =	simm.s32 $0x28A0;
	s1 =	simm.s32 $0x5C40;
	s9 =	simm.s32 $0xB  }
0x17: {  	[dreg:$0x9] =	wrdreg s5;
	s8 =	sadd.s32 $0x16600, s10;
	s10 =	sadd.s32 $0x68, s7  }
0x18: {  	[dreg:$0xb] =	wrdreg s14;
	s7 =	sadd.s32 $0x138, s7;
	s17 =	sadd.s32 s4, s15  }
0x19: {  	s26 =	sadd.s32 s25, s4;
	s15 =	simm.s32 $0xD;
	s25 =	simm.s32 $0x2A40  }
0x1a: {  	[dreg:$0xa] =	wrdreg s8;
	s5 =	sshrl.u32 s10, $0x3;
	s7 =	sshrl.u32 s7, $0x3  }
0x1b: {  	[dreg:$0x13] =	wrdreg s26;
	s26 =	simm.s32 $0x29D8;
	s5 =	sadd.s32 s4, s5  }
.Ltmp0:
0x1c: {  	[dreg:$0xc] =	wrdreg s5;
	s5 =	sadd.s32 $0x1A, s17;
	(pc) =	sbr.rel .LBB2_1-.Ltmp0, $4  }
0x1d: {  	s18 =	sadd.s32 s4, s7;
	[dreg:$0xd] =	wrdreg s5;
	s5 =	sshrl.u32 s21, $0x3  }
0x1e: {  	s10 =	simm.s32 $0x4;
	[dreg:$0xe] =	wrdreg s18;
	s5 =	sadd.s32 s5, s4  }
0x1f: {  	s7 =	simm.s32 $0x7;
	[dreg:$0x11] =	wrdreg s5;
	s5 =	sadd.s32 s24, s4  }
0x20: {  	s24 =	simm.s32 $0x64;
	[dreg:$0x12] =	wrdreg s5;
	s5 =	simm.s32 $0x3  }
.LBB2_4:
0x21: {  	_ =	swait.ge [sflag:s10], $0x1900  }
0x22: {  	[sflag:s10] =	ssyncset.done $0x0  }
0x23: {  	[sflag:s10] =	ssyncadd.s32 $0xFFFFE700  }
0x24: {  	_ =	swait.ge [sflag:s11], $0x68  }
0x25: {  	[sflag:s11] =	ssyncset.done $0x0  }
0x26: {  	[sflag:s11] =	ssyncadd.s32 $0xFFFFFF98  }
0x27: {  	[spmem:s2] =	stream.indirect.scatter.add.f32 [tilespmem:s29], [sflag:$0xC], $0x40, s26, s24, $0xb8;
	[tilespmem:$0x12A80] =	vst v63  }
0x28: {  	_ =	swait.ge [sflag:s12], $0x1900  }
0x29: {  	[sflag:s12] =	ssyncset.done $0x0  }
0x2a: {  	[sflag:s12] =	ssyncadd.s32 $0xFFFFE700  }
0x2b: {  	[bflag:$0x0] =	sbarrier.arrive $0xFFFF  }
0x2c: {  	s8 =	rddreg [dreg:$0x4]  }
0x2d: {  	s14 =	rddreg [dreg:$0xf]  }
0x2e: {  	s13 =	rddreg [dreg:$0x7]  }
0x2f: {  	s15 =	rddreg [dreg:$0x16];
	s8 =	sadd.s32 s8, s14  }
0x30: {  	[hbm:s8], [sflag:s13] =	dma.local [spmem:s15], $0x1380  }
0x31: {  	s15 =	simm.s32 $0xD  }
0x32: {  	_ =	swait.ge [sflag:s15], $0x1380  }
0x33: {  	[sflag:s15] =	ssyncset.done $0x0  }
0x34: {  	s8 =	sadd.s32 @!p0 $0x13800, s14;
	s14 =	rddreg [dreg:$0x17];
	[sflag:s15] =	ssyncadd.s32 $0xFFFFEC80  }
0x35: {  	[hbm:s8], [sflag:s13] =	dma.local @!p0 [spmem:s14], $0x80  }
0x36: {  	s8 =	simm.s32 @!p0 $0xD  }
0x37: {  	_ =	swait.ge @!p0 [sflag:s8], $0x80  }
0x38: {  	s16 =	rddreg [dreg:$0x15]  }
0x39: {  	s22 =	rddreg [dreg:$0x10];
	s16 =	sadd.s32 $0x1, s16  }
0x3a: {  	p1 =	sne.s32 s16, s22  }
.Ltmp1:
0x3b: {  	_ = 	snop;
	(pc) =	sbr.rel @!p1 .LBB2_5-.Ltmp1, $3  }
0x3c: {  	_ =	sdelay $0x1  }
0x3d: {  	[sflag:s8] =	ssyncset.done @!p0 $0x0  }
0x3e: {  	[sflag:s8] =	ssyncadd.s32 @!p0 $0xFFFFFF80  }
.LBB2_1:
0x3f: {  	[dreg:$0x15] =	wrdreg s16  }
0x40: {  	s8 =	rddreg [dreg:$0x5]  }
0x41: {  	s22 =	rddreg [dreg:$0x6];
	s14 =	sshrl.u32 s8, $0x3  }
0x42: {  	[dreg:$0x16] =	wrdreg s14  }
0x43: {  	[spmem:s14], [sflag:s13] =	dma.local [hbm:s22], $0x1380  }
0x44: {  	_ =	swait.ge [sflag:s15], $0x1380  }
0x45: {  	s8 =	rddreg [dreg:$0x8]  }
0x46: {  	[sflag:s15] =	ssyncset.done $0x0;
	s14 =	sshrl.u32 @!p0 s8, $0x3;
	s8 =	rddreg [dreg:$0x9]  }
0x47: {  	s17 =	simm.s32 @!p0 $0xD;
	[sflag:s15] =	ssyncadd.s32 $0xFFFFEC80;
	[dreg:$0x17] =	wrdreg s14  }
0x48: {  	[spmem:s14], [sflag:s13] =	dma.local @!p0 [hbm:s8], $0x80  }
0x49: {  	_ =	swait.ge @!p0 [sflag:s17], $0x80  }
0x4a: {  	[sflag:s17] =	ssyncset.done @!p0 $0x0  }
0x4b: {  	s13 =	rddreg [dreg:$0xa];
	[sflag:s17] =	ssyncadd.s32 @!p0 $0xFFFFFF80  }
0x4c: {  	[tilespmem:s3], [sflag:$0xD] =	stream.linear.gather [hbm4b:s13+s3], $0x28A0, $0x38;
	[tilespmem:$0x12A80] =	vst v63  }
0x4d: {  	_ =	swait.ge [sflag:s15], $0x28A0  }
0x4e: {  	[sflag:s15] =	ssyncset.done $0x0  }
0x4f: {  	[sflag:s15] =	ssyncadd.s32 $0xFFFFD760  }
0x50: {  	[bflag:$0x0] =	sbarrier.arrive $0xFFFF  }
0x51: {  	s14 =	rddreg [dreg:$0xb]  }
0x52: {  	[tilespmem:s23], [sflag:$0x5] =	stream.linear.gather [hbm4b:s14+s3], $0x68, $0x38;
	[tilespmem:$0x12A80] =	vst v63  }
0x53: {  	s15 =	rddreg [dreg:$0xc]  }
0x54: {  	[tilespmem:s25], [sflag:$0x1] =	stream.indirect.gather [hbm4b:s0+s24], $0x40, s3, s24, $0xb8;
	[tilespmem:$0x12A80] =	vst v63  }
0x55: {  	s16 =	simm.s32 $0x2908;
	s19 =	rddreg [dreg:$0xd]  }
0x56: {  	[tilespmem:s16], [sflag:$0x6] =	stream.linear.gather [hbm4b:s15+s3], $0x68, $0x38;
	[tilespmem:$0x12A80] =	vst v63  }
0x57: {  	s18 =	simm.s32 $0x4340;
	s17 =	simm.s32 $0x68;
	s21 =	rddreg [dreg:$0xe]  }
0x58: {  	[tilespmem:s18], [sflag:$0x2] =	stream.indirect.gather [hbm4b:s0+s24], $0x40, s17, s24, $0xb8;
	[tilespmem:$0x12A80] =	vst v63  }
0x59: {  	s18 =	rddreg [dreg:$0x11]  }
0x5a: {  	[tilespmem:s30], [sflag:$0x7] =	stream.linear.gather [hbm4b:s19+s3], $0x68, $0x38;
	[tilespmem:$0x12A80] =	vst v63  }
0x5b: {  	s20 =	simm.s32 $0xD0;
	s19 =	rddreg [dreg:$0x12]  }
0x5c: {  	[tilespmem:s1], [sflag:$0x3] =	stream.indirect.gather [hbm4b:s0+s24], $0x40, s20, s24, $0xb8;
	[tilespmem:$0x12A80] =	vst v63  }
0x5d: {  	s20 =	rddreg [dreg:$0x13]  }
0x5e: {  	[tilespmem:s26], [sflag:$0x8] =	stream.linear.gather [hbm4b:s21+s3], $0x68, $0x38;
	[tilespmem:$0x12A80] =	vst v63  }
0x5f: {  	s22 =	simm.s32 $0x138;
	s17 =	simm.s32 $0x0;
	s21 =	rddreg [dreg:$0x14]  }
0x60: {  	[tilespmem:s29], [sflag:$0x4] =	stream.indirect.gather [hbm4b:s0+s24], $0x40, s22, s24, $0xb8;
	[tilespmem:$0x12A80] =	vst v63  }
.LBB2_2:
0x61: {  	_ =	swait.ge [sflag:s31], $0x1900  }
0x62: {  	[sflag:s31] =	ssyncset.done $0x0  }
0x63: {  	[sflag:s31] =	ssyncadd.s32 $0xFFFFE700  }
0x64: {  	_ =	swait.ge [sflag:s28], $0x68  }
0x65: {  	[sflag:s28] =	ssyncset.done $0x0  }
0x66: {  	[sflag:s28] =	ssyncadd.s32 $0xFFFFFF98  }
0x67: {  	[spmem:s2] =	stream.indirect.scatter.add.f32 [tilespmem:s25], [sflag:$0x9], $0x40, s23, s24, $0xb8;
	[tilespmem:$0x12A80] =	vst v63  }
0x68: {  	_ =	swait.ge [sflag:s6], $0x1900  }
0x69: {  	p1 =	seq.s32 s17, $0x9C00;
	[sflag:s6] =	ssyncset.done $0x0  }
0x6a: {  	s16 =	simm.s32 @p1 $0x2;
	[sflag:s6] =	ssyncadd.s32 $0xFFFFE700  }
0x6b: {  	_ =	swait.ge @p1 [sflag:s16], $0x1900  }
0x6c: {  	[sflag:s16] =	ssyncset.done @p1 $0x0  }
0x6d: {  	[sflag:s16] =	ssyncadd.s32 @p1 $0xFFFFE700;
	s16 =	simm.s32 @p1 $0x6  }
0x6e: {  	_ =	swait.ge @p1 [sflag:s16], $0x68  }
0x6f: {  	s8 =	simm.s32 @p1 $0x2908;
	[sflag:s16] =	ssyncset.done @p1 $0x0  }
0x70: {  	s14 =	simm.s32 @p1 $0x4340;
	[sflag:s16] =	ssyncadd.s32 @p1 $0xFFFFFF98;
	s16 =	simm.s32 @p1 $0x64  }
0x71: {  	[spmem:s2] =	stream.indirect.scatter.add.f32 @p1 [tilespmem:s14], [sflag:$0xA], $0x40, s8, s16, $0xb8;
	[tilespmem:$0x12A80] =	vst v63  }
0x72: {  	s8 =	simm.s32 @p1 $0xA  }
0x73: {  	_ =	swait.ge @p1 [sflag:s8], $0x1900  }
0x74: {  	[sflag:s8] =	ssyncset.done @p1 $0x0  }
0x75: {  	[sflag:s8] =	ssyncadd.s32 @p1 $0xFFFFE700;
	s8 =	sshrl.u32 @!p1 s21, $0x3  }
0x76: {  	s14 =	simm.s32 @!p1 $0x0;
	s16 =	simm.s32 @!p1 $0x28A0;
	s8 =	sadd.s32 @!p1 s4, s8  }
0x77: {  	[tilespmem:s16], [sflag:$0x5] =	stream.linear.gather @!p1 [hbm4b:s8+s14], $0x68, $0x38;
	[tilespmem:$0x12A80] =	vst v63  }
0x78: {  	s8 =	sshra.s32 @!p1 s17, $0x2  }
0x79: {  	s15 =	simm.s32 @!p1 $0x64;
	s22 =	simm.s32 @!p1 $0x2A40;
	s16 =	sadd.s32 @!p1 $0x1A0, s8  }
0x7a: {  	[tilespmem:s22], [sflag:$0x1] =	stream.indirect.gather @!p1 [hbm4b:s0+s15], $0x40, s16, s15, $0xb8;
	[tilespmem:$0x12A80] =	vst v63  }
0x7b: {  	s16 =	simm.s32 @!p1 $0x2  }
0x7c: {  	_ =	swait.ge @!p1 [sflag:s16], $0x1900  }
0x7d: {  	[sflag:s16] =	ssyncset.done @!p1 $0x0  }
0x7e: {  	[sflag:s16] =	ssyncadd.s32 @!p1 $0xFFFFE700;
	s16 =	simm.s32 @!p1 $0x6  }
0x7f: {  	_ =	swait.ge @!p1 [sflag:s16], $0x68  }
0x80: {  	s13 =	simm.s32 @!p1 $0xA;
	[sflag:s16] =	ssyncset.done @!p1 $0x0  }
0x81: {  	s22 =	simm.s32 @!p1 $0x4340;
	[sflag:s16] =	ssyncadd.s32 @!p1 $0xFFFFFF98;
	s16 =	simm.s32 @!p1 $0x2908  }
0x82: {  	[spmem:s2] =	stream.indirect.scatter.add.f32 @!p1 [tilespmem:s22], [sflag:$0xA], $0x40, s16, s15, $0xb8;
	[tilespmem:$0x12A80] =	vst v63  }
0x83: {  	_ =	swait.ge @!p1 [sflag:s13], $0x1900  }
0x84: {  	[sflag:s13] =	ssyncset.done @!p1 $0x0  }
0x85: {  	[sflag:s13] =	ssyncadd.s32 @!p1 $0xFFFFE700  }
0x86: {  	[tilespmem:s16], [sflag:$0x6] =	stream.linear.gather @!p1 [hbm4b:s20+s14], $0x68, $0x38;
	[tilespmem:$0x12A80] =	vst v63  }
0x87: {  	s8 =	sadd.s32 @!p1 $0x208, s8  }
0x88: {  	[tilespmem:s22], [sflag:$0x2] =	stream.indirect.gather @!p1 [hbm4b:s0+s15], $0x40, s8, s15, $0xb8;
	[tilespmem:$0x12A80] =	vst v63  }
0x89: {  	_ =	swait.ge [sflag:s5], $0x1900  }
0x8a: {  	[sflag:s5] =	ssyncset.done $0x0  }
0x8b: {  	[sflag:s5] =	ssyncadd.s32 $0xFFFFE700  }
0x8c: {  	_ =	swait.ge [sflag:s7], $0x68  }
0x8d: {  	[sflag:s7] =	ssyncset.done $0x0  }
.Ltmp2:
0x8e: {  	[sflag:s7] =	ssyncadd.s32 $0xFFFFFF98;
	(pc) =	sbr.rel @p1 .LBB2_4-.Ltmp2, $4  }
0x8f: {  	[spmem:s2] =	stream.indirect.scatter.add.f32 [tilespmem:s1], [sflag:$0xB], $0x40, s30, s24, $0xb8;
	[tilespmem:$0x12A80] =	vst v63  }
0x90: {  	_ =	swait.ge [sflag:s9], $0x1900  }
0x91: {  	[sflag:s9] =	ssyncset.done $0x0  }
0x92: {  	[sflag:s9] =	ssyncadd.s32 $0xFFFFE700  }
0x93: {  	[tilespmem:s30], [sflag:$0x7] =	stream.linear.gather [hbm4b:s19+s3], $0x68, $0x38;
	[tilespmem:$0x12A80] =	vst v63  }
0x94: {  	s8 =	sshra.s32 s17, $0x2  }
0x95: {  	s13 =	sadd.s32 $0x270, s8  }
0x96: {  	[tilespmem:s1], [sflag:$0x3] =	stream.indirect.gather [hbm4b:s0+s24], $0x40, s13, s24, $0xb8;
	[tilespmem:$0x12A80] =	vst v63  }
0x97: {  	_ =	swait.ge [sflag:s10], $0x1900  }
0x98: {  	[sflag:s10] =	ssyncset.done $0x0  }
0x99: {  	[sflag:s10] =	ssyncadd.s32 $0xFFFFE700  }
0x9a: {  	_ =	swait.ge [sflag:s11], $0x68  }
0x9b: {  	[sflag:s11] =	ssyncset.done $0x0  }
0x9c: {  	[sflag:s11] =	ssyncadd.s32 $0xFFFFFF98  }
0x9d: {  	[spmem:s2] =	stream.indirect.scatter.add.f32 [tilespmem:s29], [sflag:$0xC], $0x40, s26, s24, $0xb8;
	[tilespmem:$0x12A80] =	vst v63  }
0x9e: {  	_ =	swait.ge [sflag:s12], $0x1900  }
.Ltmp3:
0x9f: {  	s17 =	sadd.s32 $0x680, s17;
	[sflag:s12] =	ssyncset.done $0x0;
	(pc) =	sbr.rel .LBB2_2-.Ltmp3, $4  }
0xa0: {  	s19 =	sadd.s32 $0x34, s19;
	s20 =	sadd.s32 $0x34, s20;
	[sflag:s12] =	ssyncadd.s32 $0xFFFFE700  }
0xa1: {  	[tilespmem:s26], [sflag:$0x8] =	stream.linear.gather [hbm4b:s18+s3], $0x68, $0x38;
	[tilespmem:$0x12A80] =	vst v63  }
0xa2: {  	s21 =	sadd.s32 $0x1A0, s21;
	s8 =	sadd.s32 $0x2D8, s8;
	s18 =	sadd.s32 $0x34, s18  }
0xa3: {  	[tilespmem:s29], [sflag:$0x4] =	stream.indirect.gather [hbm4b:s0+s24], $0x40, s8, s24, $0xb8;
	[tilespmem:$0x12A80] =	vst v63  }
.LBB2_5:
0xa4: {  	_ =	sfence.sel $0x180000  }
0xa5: {  	[bflag:$0x0] =	sbarrier.arrive $0xFFFF  }
0xa6: {  	_ =	strace $0x9000004D  }
0xa7: {  	[bflag:$0x2] =	sbarrier.arrive $0xFFFF  }
0xa8: {  	s0 =	rddreg [dreg:$0x3]  }
0xa9: {  	s0 =	sadd.s32 @!p0 $0x100000, s0  }
0xaa: {  	[sflag:s0] =	ssyncadd.tile.s32 @!p0 $0x1;
	_ =	shalt  }
.Lfunc_end2:
_tile_overlayer_lowered:
.L_overlay_start_2:
0xab: {  	(tag) =	ssettag $0x2  }
0xac: {  	s0 =	rddreg [dreg:$0x0];
	s2 =	stileid.u32  }
0xad: {  	s1 =	rddreg [dreg:$0x1];
	p0 =	sne.s32 s2, $0x0  }
0xae: {  	s3 =	rddreg [dreg:$0x2];
	[bflag:$0x3] =	sbarrier.arrive $0xFFFF;
	s2 =	simm.s32 @!p0 $0x1C0D  }
0xaf: {  	[timem:s3], [sflag:s2] =	dma.local @!p0 [hbm:s0], s1  }
0xb0: {  	s0 =	simm.s32 @!p0 $0xD  }
0xb1: {  	_ =	swait.ge @!p0 [sflag:s0], s1  }
0xb2: {  	s1 =	ssub.s32 @!p0 $0x0, s1;
	[sflag:s0] =	ssyncset.done @!p0 $0x0  }
0xb3: {  	[sflag:s0] =	ssyncadd.s32 @!p0 s1  }
0xb4: {  	[bflag:$0x3] =	sbarrier.arrive $0xFFFF  }
0xb5: {  	_ =	shalt  }

// kernel: kernel.8.cloned.1.call-start
scs
__scs_entry_jumppad:
0x0: {  	(pc) =	sbr.rel $0x88, $3  }
0x1: {  	(tag) =	ssettag $0x0;
	lr =	simm.s32 $0x1  }
0x2: {  	[smem:$0x3F9B] =	sst lr;
	_ =	strace $0xD0000000  }
0x3: {  	_ = 	snop  }
0x4: {  	_ = 	snop  }
0x5: {  	_ = 	snop  }
0x6: {  	_ = 	snop  }
0x7: {  	_ = 	snop  }
__scs_overlays_trampoline_lowered:
0x8: {  	[smem:$0x3FAA] =	sst s0  }
0x9: {  	[smem:$0x3FAB] =	sst s1  }
0xa: {  	[smem:$0x3FAC] =	sst s2  }
0xb: {  	[smem:$0x3FAD] =	sst s3  }
0xc: {  	[smem:$0x3FAE] =	sst s4  }
0xd: {  	[smem:$0x3FAF] =	sst s5  }
0xe: {  	[smem:$0x3FB0] =	sst s6  }
0xf: {  	[smem:$0x3FB1] =	sst s7  }
0x10: {  	[smem:$0x3FB2] =	sst s8  }
0x11: {  	[smem:$0x3FB3] =	sst s9;
	s0 =	simm.s32 @!p0 $0x0  }
0x12: {  	s1 =	sld [smem:$0x3F99];
	s0 =	simm.s32 @p0 $0x1  }
0x13: {  	[smem:$0x3FB4] =	sst s0;
	s0 =	simm.s32 @!p1 $0x0  }
0x14: {  	s2 =	sld [smem:$0x3F98];
	s0 =	simm.s32 @p1 $0x1  }
0x15: {  	[smem:$0x3FB5] =	sst s0;
	s0 =	simm.s32 @!p2 $0x0  }
0x16: {  	s3 =	sld [smem:$0x3FDB];
	s0 =	simm.s32 @p2 $0x1  }
0x17: {  	s4 =	simm.s32 $0x1BF5;
	[smem:$0x3FB7] =	sst s0  }
0x18: {  	s0 =	sld [smem:$0x3F9A];
	_ =	swait.ge [sflag:s4], $0x0  }
0x19: {  	s7 =	sld [smem:$0x3F9B]  }
0x1a: {  	s8 =	sadd.s32 $0xFFFFE003, lr  }
0x1b: {  	s9 =	sadd.s32 $0xFFFFFEF7, lr;
	s5 =	simm.s32 $0xFFFFFFFF;
	p2 =	slt.u32 s8, $0xFFFFF086  }
0x1c: {  	p1 =	slt.u32 s9, $0xF7A;
	s5 =	simm.s32 @!p2 $0x0  }
0x1d: {  	s5 =	simm.s32 @p1 $0x1;
	p0 =	seq.s32 s7, s2  }
0x1e: {  	s7 =	smul.u32 @!p0 $0xF7A, s2;
	p2 =	seq.s32 @!p0 s5, $0x0  }
0x1f: {  	s9 =	smul.u32 $0xF7A, s1;
	s8 =	simm.s32 @!p0 $0x1BF5;
	p2 =	por !p2, p0  }
0x20: {  	[sflag:s8] =	ssyncset.s32 @!p0 $0xFFFFF086;
	s6 =	sadd.s32 @!p0 s3, s7;
	s7 =	simm.s32 @!p0 $0x108  }
0x21: {  	s3 =	sadd.s32 s3, s9;
	s6 =	sadd.s32 @!p0 $0x88, s6;
	s7 =	simm.s32 @p2 $0x1082  }
0x22: {  	[simem:s7], [sflag:s8] =	dma.local @!p0 [hbm:s6], $0xF7A  }
0x23: {  	s9 =	sor.u32 $0xD0000000, s2;
	s6 =	simm.s32 $0x108;
	_ =	swait.ge @!p0 [sflag:s8], $0x0  }
0x24: {  	s3 =	sadd.s32 $0x88, s3;
	s6 =	simm.s32 @!p1 $0x1082;
	[sflag:s4] =	ssyncset.s32 $0xFFFFF086  }
0x25: {  	[simem:s6], [sflag:s4] =	dma.local [hbm:s3], $0xF7A  }
0x26: {  	[smem:$0x3F9B] =	sst s1;
	(tag) =	ssettag s2;
	_ =	strace s9  }
0x27: {  	s1 =	sld [smem:$0x3FAB]  }
0x28: {  	s2 =	sld [smem:$0x3FAC]  }
0x29: {  	s4 =	sld [smem:$0x3FAE]  }
0x2a: {  	p0 =	seq.s32 s5, $0x0;
	s5 =	sld [smem:$0x3FAF]  }
0x2b: {  	s6 =	sld [smem:$0x3FB0]  }
0x2c: {  	s7 =	sld [smem:$0x3FB1]  }
0x2d: {  	s3 =	simm.s32 $0x108;
	s8 =	sld [smem:$0x3FB2]  }
0x2e: {  	s3 =	simm.s32 @!p0 $0x1082;
	s9 =	sld [smem:$0x3FB3]  }
0x2f: {  	lr =	sadd.s32 s0, s3;
	s0 =	sld [smem:$0x3FAA]  }
0x30: {  	s3 =	sld [smem:$0x3FAD]  }
0x31: {  	[smem:$0x3FB6] =	sst s10  }
0x32: {  	s10 =	sld [smem:$0x3FB4];
	_ =	sdelay $0x3  }
0x33: {  	p0 =	seq.s32 s10, $0x1;
	s10 =	sld [smem:$0x3FB6];
	_ =	sdelay $0x3  }
0x34: {  	[smem:$0x3FB6] =	sst s10  }
0x35: {  	s10 =	sld [smem:$0x3FB5];
	_ =	sdelay $0x3  }
0x36: {  	p1 =	seq.s32 s10, $0x1;
	s10 =	sld [smem:$0x3FB6];
	_ =	sdelay $0x3  }
0x37: {  	[smem:$0x3FB6] =	sst s10  }
0x38: {  	s10 =	sld [smem:$0x3FB7]  }
0x39: {  	_ = 	snop;
	(pc) =	sbr.ind lr, $3  }
0x3a: {  	_ = 	snop  }
0x3b: {  	_ = 	snop  }
0x3c: {  	p2 =	seq.s32 s10, $0x1;
	s10 =	sld [smem:$0x3FB6]  }
0x3d: {  	_ =	shalt  }
0x3e: {  	_ =	shalt  }
0x3f: {  	_ =	shalt  }
0x40: {  	_ =	shalt  }
0x41: {  	_ =	shalt  }
0x42: {  	_ =	shalt  }
0x43: {  	_ =	shalt  }
0x44: {  	_ =	shalt  }
0x45: {  	_ =	shalt  }
0x46: {  	_ =	shalt  }
0x47: {  	_ =	shalt  }
0x48: {  	_ =	shalt  }
0x49: {  	_ =	shalt  }
0x4a: {  	_ =	shalt  }
0x4b: {  	_ =	shalt  }
0x4c: {  	_ =	shalt  }
0x4d: {  	_ =	shalt  }
0x4e: {  	_ =	shalt  }
0x4f: {  	_ =	shalt  }
0x50: {  	_ =	shalt  }
0x51: {  	_ =	shalt  }
0x52: {  	_ =	shalt  }
0x53: {  	_ =	shalt  }
0x54: {  	_ =	shalt  }
0x55: {  	_ =	shalt  }
0x56: {  	_ =	shalt  }
0x57: {  	_ =	shalt  }
0x58: {  	_ =	shalt  }
0x59: {  	_ =	shalt  }
0x5a: {  	_ =	shalt  }
0x5b: {  	_ =	shalt  }
0x5c: {  	_ =	shalt  }
0x5d: {  	_ =	shalt  }
0x5e: {  	_ =	shalt  }
0x5f: {  	_ =	shalt  }
0x60: {  	_ =	shalt  }
0x61: {  	_ =	shalt  }
0x62: {  	_ =	shalt  }
0x63: {  	_ =	shalt  }
0x64: {  	_ =	shalt  }
0x65: {  	_ =	shalt  }
0x66: {  	_ =	shalt  }
0x67: {  	_ =	shalt  }
0x68: {  	_ =	shalt  }
0x69: {  	_ =	shalt  }
0x6a: {  	_ =	shalt  }
0x6b: {  	_ =	shalt  }
0x6c: {  	_ =	shalt  }
0x6d: {  	_ =	shalt  }
0x6e: {  	_ =	shalt  }
0x6f: {  	_ =	shalt  }
0x70: {  	_ =	shalt  }
0x71: {  	_ =	shalt  }
0x72: {  	_ =	shalt  }
0x73: {  	_ =	shalt  }
0x74: {  	_ =	shalt  }
0x75: {  	_ =	shalt  }
0x76: {  	_ =	shalt  }
0x77: {  	_ =	shalt  }
0x78: {  	_ =	shalt  }
0x79: {  	_ =	shalt  }
0x7a: {  	_ =	shalt  }
0x7b: {  	_ =	shalt  }
0x7c: {  	_ =	shalt  }
0x7d: {  	_ =	shalt  }
0x7e: {  	_ =	shalt  }
0x7f: {  	_ =	shalt  }
0x80: {  	_ =	shalt  }
0x81: {  	_ =	shalt  }
0x82: {  	_ =	shalt  }
0x83: {  	_ =	shalt  }
0x84: {  	_ =	shalt  }
0x85: {  	_ =	shalt  }
0x86: {  	_ =	shalt  }
0x87: {  	_ =	shalt  }
.Lfunc_end0:
.L_simem_size_0:
called_computation_lowered:
.L_overlay_start_0:
0x88: {  	s2 =	sld [smem:$0x3FD9]  }
0x89: {  	s3 =	sld [smem:$0x3FFE];
	_ =	sdelay $0x1  }
0x8a: {  	s1 =	srdreg.scid  }
0x8b: {  	s0 =	sand.u32 $0x1, s1  }
0x8c: {  	s17 =	sshll.u32 s0, $0xA;
	s2 =	sadd.s32 s3, s2  }
0x8d: {  	s2 =	sadd.s32 s2, s17  }
0x8e: {  	[smem:$0x3FC2] =	sst s2  }
0x8f: {  	_ = 	snop  }
0x90: {  	s2 =	sld [smem:$0x3FD0];
	(tm) =	ssettm $0x1  }
0x91: {  	s18 =	sld [smem:$0x3FFB];
	_ =	sdelay $0x3  }
0x92: {  	_ =	strace s18  }
0x93: {  	s3 =	sld [smem:$0x3FFC];
	_ =	sdelay $0x3  }
0x94: {  	_ =	strace s3  }
0x95: {  	s3 =	sld [smem:$0x3FFD];
	_ =	sdelay $0x3  }
0x96: {  	_ =	strace s3  }
0x97: {  	_ =	strace $0x8FFFFFFF  }
0x98: {  	s19 =	sld [smem:$0x3FDB];
	_ =	sdelay $0x1  }
0x99: {  	s4 =	simm.s32 $_scs_section_size  }
0x9a: {  	s5 =	simm.s32 $_size__tile_overlayer_lowered;
	s6 =	simm.s32 $_tile_overlayer_lowered  }
0x9b: {  	s22 =	simm.s32 $0x1BFF;
	s21 =	sshll.u32 s6, $0x1;
	s3 =	sadd.s32 s4, s19  }
0x9c: {  	s7 =	simm.s32 $0x0;
	s20 =	sshll.u32 s5, $0x1;
	s5 =	sadd.s32 s21, s3  }
0x9d: {  	[timem:s7], [sflag:s22] =	dma.local [hbm:s5], s20  }
0x9e: {  	_ =	swait.ge [sflag:s22], s20  }
0x9f: {  	s4 =	ssub.s32 $0x0, s20;
	[sflag:s22] =	ssyncset.done $0x0  }
0xa0: {  	[sflag:s22] =	ssyncadd.s32 s4;
	_ =	sdelay $0x1  }
0xa1: {  	s23 =	simm.s32 $0x1B8B  }
0xa2: {  	_ =	swait.ge [sflag:s23], $0x1  }
0xa3: {  	[sflag:s23] =	ssyncset.done $0x0  }
0xa4: {  	s25 =	simm.s32 $0x1B8E;
	s24 =	sld [smem:$0x3FFE];
	[sflag:s23] =	ssyncadd.s32 $0xFFFFFFFF  }
0xa5: {  	s26 =	simm.s32 $execute0_lowered;
	[smem:$0x3FD2] =	sst s25  }
0xa6: {  	s5 =	sshll.u32 s26, $0x1;
	_ =	strace $0x80000046;
	[dreg:$0x1] =	wrdreg $0xFFFFFFFF  }
0xa7: {  	s28 =	simm.s32 $_size_execute0_lowered;
	s3 =	sadd.s32 s3, s5;
	[dreg:$0x0] =	wrdreg $0x0  }
0xa8: {  	s5 =	sshll.u32 s28, $0x1;
	[dreg:$0x2] =	wrdreg s3  }
0xa9: {  	[dreg:$0x3] =	wrdreg s5  }
0xaa: {  	[dreg:$0x4] =	wrdreg $0xC0  }
0xab: {  	_ =	task [dreg:s7], $0x5FFFF  }
0xac: {  	[dreg:$0x1] =	wrdreg $0xFFFFFFFF  }
0xad: {  	[dreg:$0x0] =	wrdreg $0x60  }
0xae: {  	[dreg:$0x2] =	wrdreg s2  }
0xaf: {  	[dreg:$0x3] =	wrdreg s24  }
0xb0: {  	[dreg:$0x4] =	wrdreg $0x15F900  }
0xb1: {  	[dreg:$0x5] =	wrdreg $0x9  }
0xb2: {  	_ =	task.clear_ibuf [dreg:s7], $0x6FFFF;
	_ =	strace $0x90000046  }
0xb3: {  	s29 =	simm.s32 $0x9;
	_ =	strace $0x80000048  }
0xb4: {  	_ =	swait.ge [sflag:s29], $0x1  }
0xb5: {  	[sflag:s29] =	ssyncadd.s32 $0xFFFFFFFF  }
0xb6: {  	_ =	strace $0x90000048  }
0xb7: {  	_ =	sfence  }
0xb8: {  	s30 =	sld [smem:$0x0];
	_ =	sdelay $0x2  }
0xb9: {  	s31 =	sshll.u32 s1, $0xD;
	s1 =	sshrl.u32 s1, $0x2  }
0xba: {  	s3 =	sand.u32 $0x4000, s31;
	s1 =	sadd.s32 s1, s30  }
0xbb: {  	s0 =	sor.u32 s3, s0;
	s1 =	sshll.u32 s1, $0x11  }
0xbc: {  	s0 =	sor.u32 s1, s0  }
0xbd: {  	s0 =	sadd.s32 $0x8F2B, s0  }
0xbe: {  	[sflag:s0] =	ssyncadd.remote.s32 $0x1  }
0xbf: {  	_ =	sfence.sel $0xFFFF  }
0xc0: {  	[dreg:$0x0] =	wrdreg $0xFFFFFFFF;
	(pc) =	sbr.abs _section_cstart, $3  }
0xc1: {  	[dreg:$0x1] =	wrdreg $0xFFFFFFFF  }
0xc2: {  	_ =	task.clear_ibuf [dreg:s7], $0x2FFFF;
	_ =	strace $0x9FFFFFFF  }
0xc3: {  	(tm) =	ssettm $0x7FFFFFFF  }
tec
execute0_lowered:
.L_overlay_start_1:
0x0: {  	(tag) =	ssettag $0x1  }
0x1: {  	s5 =	srdreg.scid  }
0x2: {  	s5 =	sand.u32 $0x1, s5  }
0x3: {  	s3 =	rddreg [dreg:$0x0];
	s6 =	ssub.s32 $0x2, s5  }
0x4: {  	s4 =	rddreg [dreg:$0x1];
	s10 =	sshrl.u32 s6, $0x1  }
0x5: {  	s1 =	rddreg [dreg:$0x2];
	s6 =	ssub.s32 s6, s10  }
0x6: {  	s0 =	rddreg [dreg:$0x3];
	s31 =	smax.u32 s6, $0x1  }
0x7: {  	s2 =	simm.s32 $0x0;
	s8 =	stileid.u32;
	s12 =	sadd.s32 $0xFFFFFFFF, s31  }
0x8: {  	p1 =	por $0x0, $0x0;
	[smem:$0x7FF] =	sst s2;
	p2 =	sne.s32 s12, $0x0  }
.Ltmp0:
0x9: {  	s9 =	sadd.s32 $0x4A00, s4;
	s7 =	sshll.u32 s5, $0x4;
	(pc) =	sbr.rel @!p2 .LBB2_3-.Ltmp0, $4  }
0xa: {  	p0 =	sne.s32 s8, $0x0;
	s5 =	smul.u32 $0x2710, s5;
	s7 =	sor.u32 s8, s7  }
0xb: {  	_ =	strace $0x80000047;
	s8 =	simm.s32 $0x2710;
	s30 =	smul.u32 $0x4E2, s7  }
0xc: {  	s7 =	sadd.s32 $0x2200, s4;
	s4 =	sadd.s32 s5, s4;
	s5 =	simm.s32 $0x1  }
0xd: {  	s6 =	sadd.s32 s3, s30;
	s3 =	sadd.s32 $0x7200, s4;
	s4 =	sshrl.u32 @!p0 s1, $0x3  }
0xe: {  	s11 =	simm.s32 @!p0 $0x1C01;
	s10 =	simm.s32 @!p0 $0x1  }
0xf: {  	[spmem:s4], [sflag:s11] =	dma.local @!p0 [hbm:s9], $0x2710  }
0x10: {  	_ =	swait.ge @!p0 [sflag:s10], $0x2710  }
0x11: {  	[sflag:s10] =	ssyncset.done @!p0 $0x0  }
0x12: {  	[sflag:s10] =	ssyncadd.s32 @!p0 $0xFFFFD8F0  }
0x13: {  	[tilespmem:s8], [sflag:$0x1] =	stream.linear.gather [hbm4b:s7+s2], $0x13880, $0x38;
	[tilespmem:$0x16208] =	vst v63  }
0x14: {  	_ =	swait.ge [sflag:s5], $0x13880  }
0x15: {  	[sflag:s5] =	ssyncset.done $0x0  }
0x16: {  	[sflag:s5] =	ssyncadd.s32 $0xFFFEC780  }
0x17: {  	[tilespmem:s2], [sflag:$0x1] =	stream.linear.gather [hbm4b:s6+s2], $0x2710, $0x38;
	[tilespmem:$0x16208] =	vst v63  }
0x18: {  	_ =	swait.ge [sflag:s5], $0x2710  }
0x19: {  	[sflag:s5] =	ssyncset.done $0x0  }
0x1a: {  	[sflag:s5] =	ssyncadd.s32 $0xFFFFD8F0  }
0x1b: {  	[bflag:$0x0] =	sbarrier.arrive $0xFFFF  }
0x1c: {  	[spmem:s1] =	stream.indirect.scatter.add.f32 [tilespmem:s8], [sflag:$0x1], $0x1, s2, s8, $0xb8;
	[tilespmem:$0x16208] =	vst v63  }
0x1d: {  	s12 =	sadd.s32 $0xFFFFFFFF, s12;
	_ =	swait.ge [sflag:s5], $0x2710  }
0x1e: {  	p2 =	sne.s32 s12, $0x0;
	[sflag:s5] =	ssyncset.done $0x0  }
.Ltmp1:
0x1f: {  	[sflag:s5] =	ssyncadd.s32 $0xFFFFD8F0;
	(pc) =	sbr.rel @!p2 .LBB2_3-.Ltmp1, $4  }
0x20: {  	[bflag:$0x0] =	sbarrier.arrive $0xFFFF  }
0x21: {  	[hbm:s3], [sflag:s11] =	dma.local @!p0 [spmem:s4], $0x2710  }
0x22: {  	_ =	swait.ge @!p0 [sflag:s10], $0x2710  }
0x23: {  	p1 =	por $0x1, $0x1;
	[sflag:s10] =	ssyncset.done @!p0 $0x0  }
.LBB2_2:
0x24: {  	[sflag:s10] =	ssyncadd.s32 @!p0 $0xFFFFD8F0  }
0x25: {  	[spmem:s4], [sflag:s11] =	dma.local @!p0 [hbm:s9], $0x2710  }
0x26: {  	s12 =	sadd.s32 $0xFFFFFFFF, s12;
	_ =	swait.ge @!p0 [sflag:s10], $0x2710  }
0x27: {  	p2 =	sne.s32 s12, $0x0;
	[sflag:s10] =	ssyncset.done @!p0 $0x0  }
0x28: {  	[sflag:s10] =	ssyncadd.s32 @!p0 $0xFFFFD8F0  }
0x29: {  	[tilespmem:s8], [sflag:$0x1] =	stream.linear.gather [hbm4b:s7+s2], $0x13880, $0x38;
	[tilespmem:$0x16208] =	vst v63  }
0x2a: {  	_ =	swait.ge [sflag:s5], $0x13880  }
0x2b: {  	[sflag:s5] =	ssyncset.done $0x0  }
0x2c: {  	[sflag:s5] =	ssyncadd.s32 $0xFFFEC780  }
0x2d: {  	[tilespmem:s2], [sflag:$0x1] =	stream.linear.gather [hbm4b:s6+s2], $0x2710, $0x38;
	[tilespmem:$0x16208] =	vst v63  }
0x2e: {  	_ =	swait.ge [sflag:s5], $0x2710  }
0x2f: {  	[sflag:s5] =	ssyncset.done $0x0  }
0x30: {  	[sflag:s5] =	ssyncadd.s32 $0xFFFFD8F0  }
0x31: {  	[bflag:$0x0] =	sbarrier.arrive $0xFFFF  }
0x32: {  	[spmem:s1] =	stream.indirect.scatter.add.f32 [tilespmem:s8], [sflag:$0x1], $0x1, s2, s8, $0xb8;
	[tilespmem:$0x16208] =	vst v63  }
0x33: {  	_ =	swait.ge [sflag:s5], $0x2710  }
0x34: {  	[sflag:s5] =	ssyncset.done $0x0  }
.Ltmp2:
0x35: {  	[sflag:s5] =	ssyncadd.s32 $0xFFFFD8F0;
	(pc) =	sbr.rel @p2 .LBB2_2-.Ltmp2, $4  }
0x36: {  	[bflag:$0x0] =	sbarrier.arrive $0xFFFF  }
0x37: {  	[hbm:s3], [sflag:s11] =	dma.local @!p0 [spmem:s4], $0x2710  }
0x38: {  	_ =	swait.ge @!p0 [sflag:s10], $0x2710  }
0x39: {  	[sflag:s10] =	ssyncset.done @!p0 $0x0  }
.LBB2_3:
0x3a: {  	p1 =	por p0, !p1  }
0x3b: {  	s11 =	simm.s32 @!p0 $0x1C01;
	s12 =	simm.s32 @!p0 $0x1;
	[sflag:s10] =	ssyncadd.s32 @!p1 $0xFFFFD8F0  }
0x3c: {  	[spmem:s4], [sflag:s11] =	dma.local @!p0 [hbm:s9], $0x2710  }
0x3d: {  	_ =	swait.ge @!p0 [sflag:s12], $0x2710  }
0x3e: {  	[sflag:s12] =	ssyncset.done @!p0 $0x0  }
0x3f: {  	[sflag:s12] =	ssyncadd.s32 @!p0 $0xFFFFD8F0  }
0x40: {  	[tilespmem:s8], [sflag:$0x1] =	stream.linear.gather [hbm4b:s7+s2], $0x13880, $0x38;
	[tilespmem:$0x16208] =	vst v63  }
0x41: {  	_ =	swait.ge [sflag:s5], $0x13880  }
0x42: {  	[sflag:s5] =	ssyncset.done $0x0  }
0x43: {  	[sflag:s5] =	ssyncadd.s32 $0xFFFEC780  }
0x44: {  	[tilespmem:s2], [sflag:$0x1] =	stream.linear.gather [hbm4b:s6+s2], $0x2710, $0x38;
	[tilespmem:$0x16208] =	vst v63  }
0x45: {  	_ =	swait.ge [sflag:s5], $0x2710  }
0x46: {  	[sflag:s5] =	ssyncset.done $0x0  }
0x47: {  	[sflag:s5] =	ssyncadd.s32 $0xFFFFD8F0  }
0x48: {  	[bflag:$0x0] =	sbarrier.arrive $0xFFFF  }
0x49: {  	[spmem:s1] =	stream.indirect.scatter.add.f32 [tilespmem:s8], [sflag:$0x1], $0x1, s2, s8, $0xb8;
	[tilespmem:$0x16208] =	vst v63  }
0x4a: {  	_ =	swait.ge [sflag:s5], $0x2710  }
0x4b: {  	[sflag:s5] =	ssyncset.done $0x0  }
0x4c: {  	[sflag:s5] =	ssyncadd.s32 $0xFFFFD8F0  }
0x4d: {  	[bflag:$0x0] =	sbarrier.arrive $0xFFFF  }
0x4e: {  	[hbm:s3], [sflag:s11] =	dma.local @!p0 [spmem:s4], $0x2710  }
0x4f: {  	_ =	swait.ge @!p0 [sflag:s12], $0x2710  }
0x50: {  	[sflag:s12] =	ssyncset.done @!p0 $0x0  }
0x51: {  	[sflag:s12] =	ssyncadd.s32 @!p0 $0xFFFFD8F0  }
0x52: {  	_ =	sfence.sel $0x180000  }
0x53: {  	[bflag:$0x0] =	sbarrier.arrive $0xFFFF  }
0x54: {  	_ =	strace $0x90000047  }
0x55: {  	s0 =	sadd.s32 @!p0 $0x100000, s0;
	[bflag:$0x2] =	sbarrier.arrive $0xFFFF  }
0x56: {  	[sflag:s0] =	ssyncadd.tile.s32 @!p0 $0x1;
	_ =	shalt  }
.Lfunc_end2:
_tile_overlayer_lowered:
.L_overlay_start_2:
0x57: {  	(tag) =	ssettag $0x2  }
0x58: {  	s0 =	rddreg [dreg:$0x0];
	s2 =	stileid.u32  }
0x59: {  	s1 =	rddreg [dreg:$0x1];
	p0 =	sne.s32 s2, $0x0  }
0x5a: {  	s3 =	rddreg [dreg:$0x2];
	[bflag:$0x3] =	sbarrier.arrive $0xFFFF;
	s2 =	simm.s32 @!p0 $0x1C01  }
0x5b: {  	[timem:s3], [sflag:s2] =	dma.local @!p0 [hbm:s0], s1  }
0x5c: {  	s0 =	simm.s32 @!p0 $0x1  }
0x5d: {  	_ =	swait.ge @!p0 [sflag:s0], s1  }
0x5e: {  	s1 =	ssub.s32 @!p0 $0x0, s1;
	[sflag:s0] =	ssyncset.done @!p0 $0x0  }
0x5f: {  	[sflag:s0] =	ssyncadd.s32 @!p0 s1  }
0x60: {  	[bflag:$0x3] =	sbarrier.arrive $0xFFFF  }
0x61: {  	_ =	shalt  }

</sc_bundles>
